<compile_context>
chip_gen: v7x
topology: tpu7x:2x2x1
jax: 0.10.2.dev20260603
libtpu: 0.0.44.dev20260713+nightly
codegen_flags: <defaults>
</compile_context>

<pallas_src>
import functools

import jax
import jax.numpy as jnp
from jax import lax
from jax.experimental import pallas as pl
from jax.experimental.pallas import tpu as pltpu
from jax.experimental.pallas import tpu_sc as plsc

_T, _C, _H, _W = 100, 3, 1024, 1024
_HW = _H * _W
_N = 2097152

_NC, _NS, _L = 2, 16, 16
_NW = _NC * _NS
_PPW = _N // _NW
_K = 2048
_G = _PPW // _K
_KO = 4 * _K

def _quantize(x, scale, hi):
    y = x * scale + 2.0**23
    i = lax.bitcast_convert_type(y, jnp.int32) - 0x4B000000
    return jnp.minimum(i, hi)


def _sc_gather(t, h, w, weight_flat):
    mesh = plsc.VectorSubcoreMesh(core_axis_name="c", subcore_axis_name="s")

    @functools.partial(
        pl.kernel,
        out_type=jax.ShapeDtypeStruct((4 * _N,), jnp.float32),
        mesh=mesh,
        compiler_params=pltpu.CompilerParams(needs_layout_passes=False),
        scratch_types=[
            pltpu.VMEM((_K,), jnp.float32),
            pltpu.VMEM((_K,), jnp.float32),
            pltpu.VMEM((_K,), jnp.float32),
            pltpu.VMEM((_K,), jnp.float32),
            pltpu.VMEM((_K,), jnp.float32),
            pltpu.VMEM((_K,), jnp.float32),
            pltpu.VMEM((_C * _K,), jnp.int32),
            pltpu.VMEM((_C * _K,), jnp.int32),
            pltpu.VMEM((_KO,), jnp.float32),
            pltpu.VMEM((_KO,), jnp.float32),
            pltpu.SemaphoreType.DMA,
            pltpu.SemaphoreType.DMA,
            pltpu.SemaphoreType.DMA,
            pltpu.SemaphoreType.DMA,
            pltpu.SemaphoreType.DMA,
        ],
    )
    def k(
        t_hbm, h_hbm, w_hbm, wt_hbm, out_hbm,
        tb0, hb0, wb0, tb1, hb1, wb1, ix0, ix1, va0, va1,
        sg0, sg1, si0, si1, sem_o,
    ):
        wid = lax.axis_index("s") * _NC + lax.axis_index("c")

        def fire_in(g, tb, hb, wb, si):
            off = wid * _PPW + g * _K
            pltpu.async_copy(t_hbm.at[pl.ds(off, _K)], tb, si)
            pltpu.async_copy(h_hbm.at[pl.ds(off, _K)], hb, si)
            pltpu.async_copy(w_hbm.at[pl.ds(off, _K)], wb, si)

        def wait_in(tb, hb, wb, si):
            pltpu.make_async_copy(t_hbm.at[pl.ds(0, _K)], tb, si).wait()
            pltpu.make_async_copy(t_hbm.at[pl.ds(0, _K)], hb, si).wait()
            pltpu.make_async_copy(t_hbm.at[pl.ds(0, _K)], wb, si).wait()

        def compute(tb, hb, wb, ix):
            @plsc.parallel_loop(0, _K // _L, unroll=4)
            def _(j):
                tv = tb[pl.ds(j * _L, _L)]
                hv = hb[pl.ds(j * _L, _L)]
                wv = wb[pl.ds(j * _L, _L)]
                mt = _quantize(tv, float(_T), _T - 1)
                mh = _quantize(hv, float(_H), _H - 1)
                mw = _quantize(wv, float(_W), _W - 1)
                r = mt * (_C * _H) + mh
                idx0 = (
                    ((r >> 3) << 13)
                    | ((mw >> 7) << 10)
                    | ((r & 7) << 7)
                    | (mw & 127)
                )
                base = (j // 8) * 384 + (j % 8) * _L
                ix[pl.ds(base, _L)] = idx0
                ix[pl.ds(base + 128, _L)] = idx0 + _HW
                ix[pl.ds(base + 256, _L)] = idx0 + 2 * _HW

        def fire_gather(ix, va, sg):
            def tile_body(tt, carry):
                for c in range(_C):
                    pltpu.async_copy(
                        wt_hbm.at[ix.at[pl.ds(tt * 384 + c * 128, 128)]],
                        va.at[pl.ds(tt * 512 + c * 128, 128)],
                        sg,
                    )
                return carry

            lax.fori_loop(0, _K // 128, tile_body, 0)

        def wait_gather(va, sg):
            pltpu.make_async_copy(
                wt_hbm.at[pl.ds(0, _C * _K)],
                va.at[pl.ds(0, _C * _K)],
                sg,
            ).wait()

        def fire_out(g, va):
            off = wid * _PPW + g * _K
            pltpu.async_copy(va, out_hbm.at[pl.ds(4 * off, _KO)], sem_o)

        def wait_out(va):
            pltpu.make_async_copy(va, out_hbm.at[pl.ds(0, _KO)], sem_o).wait()

        fire_in(0, tb0, hb0, wb0, si0)
        fire_in(1, tb1, hb1, wb1, si1)
        wait_in(tb0, hb0, wb0, si0)
        compute(tb0, hb0, wb0, ix0)
        fire_gather(ix0, va0, sg0)

        def outer(gg, carry):
            g0 = 2 * gg
            @pl.when(g0 + 2 < _G)
            def _():
                fire_in(g0 + 2, tb0, hb0, wb0, si0)

            wait_in(tb1, hb1, wb1, si1)
            compute(tb1, hb1, wb1, ix1)

            @pl.when(g0 >= 1)
            def _():
                wait_out(va1)

            fire_gather(ix1, va1, sg1)
            wait_gather(va0, sg0)
            fire_out(g0, va0)

            @pl.when(g0 + 3 < _G)
            def _():
                fire_in(g0 + 3, tb1, hb1, wb1, si1)

            @pl.when(g0 + 2 < _G)
            def _():
                wait_in(tb0, hb0, wb0, si0)
                compute(tb0, hb0, wb0, ix0)

            wait_out(va0)

            @pl.when(g0 + 2 < _G)
            def _():
                fire_gather(ix0, va0, sg0)

            wait_gather(va1, sg1)
            fire_out(g0 + 1, va1)
            return carry

        lax.fori_loop(0, _G // 2, outer, 0)
        wait_out(va1)

    return k(t, h, w, weight_flat)


def kernel(t, h, w, weight):
    wt_tiles = weight.reshape(_T * _C * _H // 8, 8, _W // 128, 128)
    wt_flat = wt_tiles.transpose(0, 2, 1, 3).reshape(-1)
    out_flat = _sc_gather(t, h, w, wt_flat)
    out3 = out_flat.reshape(_N // 128, 4, 128)
    return out3.transpose(0, 2, 1).reshape(_N, 4)[:, :_C]

# --- scband reference (transcript-rebuilt; emitter-appended) ---
"""Pipeline reference for scband-cube-566935683321 (READ-ONLY COPY).

The authoritative reference and input builder live on the scoring server;
editing this copy changes nothing except your own understanding.
"""

import jax, jax.numpy as jnp
import numpy as np

T_DIM = 100
H_DIM = 1024
W_DIM = 1024
C_DIM = 3
N_PTS = 2097152


def setup_inputs(seed: int = 0) -> dict:
    key = jax.random.key(seed)
    k1, k2, k3, k4 = jax.random.split(key, 4)
    t = jax.random.uniform(k1, (N_PTS,), dtype=jnp.float32)
    h = jax.random.uniform(k2, (N_PTS,), dtype=jnp.float32)
    w = jax.random.uniform(k3, (N_PTS,), dtype=jnp.float32)
    # learned (frozen) memory cube, uniform(0,1) as in the torch module
    weight = jax.random.uniform(k4, (T_DIM, C_DIM, H_DIM, W_DIM), dtype=jnp.float32)
    return {"t": t, "h": h, "w": w, "weight": weight}


def reference(t, h, w, weight):
    T, C, H, W = weight.shape
    mt = jnp.clip(jnp.round(t * T).astype(jnp.int32), 0, T - 1)
    mh = jnp.clip(jnp.round(h * H).astype(jnp.int32), 0, H - 1)
    mw = jnp.clip(jnp.round(w * W).astype(jnp.int32), 0, W - 1)
    # advanced indexing: gathers [N, C] rows from the cube
    result = weight[mt, :, mh, mw]
    return result

if __name__ == "__main__":
    import jax
    _d = setup_inputs()
    print(jax.jit(kernel)(*tuple(_d.values())))

</pallas_src>

<mosaic_0001>
#map = affine_map<(d0, d1) -> (0)>
module attributes {stable_mosaic.version = 14 : i64} {
  func.func @k(%arg0: i32, %arg1: i32, %arg2: memref<2097152xf32, #tpu.memory_space<hbm>>, %arg3: memref<2097152xf32, #tpu.memory_space<hbm>>, %arg4: memref<2097152xf32, #tpu.memory_space<hbm>>, %arg5: memref<314572800xf32, #tpu.memory_space<hbm>>, %arg6: memref<8388608xf32, #tpu.memory_space<hbm>>, %arg7: memref<2048xf32, #tpu.memory_space<vmem>>, %arg8: memref<2048xf32, #tpu.memory_space<vmem>>, %arg9: memref<2048xf32, #tpu.memory_space<vmem>>, %arg10: memref<2048xf32, #tpu.memory_space<vmem>>, %arg11: memref<2048xf32, #tpu.memory_space<vmem>>, %arg12: memref<2048xf32, #tpu.memory_space<vmem>>, %arg13: memref<6144xi32, #tpu.memory_space<vmem>>, %arg14: memref<6144xi32, #tpu.memory_space<vmem>>, %arg15: memref<8192xf32, #tpu.memory_space<vmem>>, %arg16: memref<8192xf32, #tpu.memory_space<vmem>>, %arg17: memref<!tpu.dma_semaphore, #tpu.memory_space<semaphore_mem>>, %arg18: memref<!tpu.dma_semaphore, #tpu.memory_space<semaphore_mem>>, %arg19: memref<!tpu.dma_semaphore, #tpu.memory_space<semaphore_mem>>, %arg20: memref<!tpu.dma_semaphore, #tpu.memory_space<semaphore_mem>>, %arg21: memref<!tpu.dma_semaphore, #tpu.memory_space<semaphore_mem>>) attributes {dimension_semantics = [#tpu.dimension_semantics<core_parallel>, #tpu.dimension_semantics<subcore_parallel>], iteration_bounds = array<i64: 2, 16>, scalar_prefetch = 0 : i64, scratch_operands = 15 : i64, tpu.core_type = #tpu.core_type<sc_vector_subcore>, window_params = [{transform_indices = #map}, {transform_indices = #map}, {transform_indices = #map}, {transform_indices = #map}, {transform_indices = #map}]} {
    %mul3A = arith.constant 2 : i32
    %mul3A_0 = arith.muli %arg1, %mul3A : i32
    %add3A = arith.addi %mul3A_0, %arg0 : i32
    %mul3A_1 = arith.constant 65536 : i32
    %mul3A_2 = arith.muli %add3A, %mul3A_1 : i32
    %add3A_3 = arith.constant 0 : i32
    %add3A_4 = arith.addi %mul3A_2, %add3A_3 : i32
    %dma_start3A = tpu.memref_slice %arg2[%add3A_4] : memref<2097152xf32, #tpu.memory_space<hbm>> -> memref<2048xf32, #tpu.memory_space<hbm>>
    %dma_start3A_5 = tpu.memref_slice %arg2[%add3A_4] : memref<2097152xf32, #tpu.memory_space<hbm>> -> memref<2048xf32, #tpu.memory_space<hbm>>
    tpu.enqueue_dma source(%dma_start3A_5 : memref<2048xf32, #tpu.memory_space<hbm>>) target(%arg7 : memref<2048xf32, #tpu.memory_space<vmem>>) target_semaphore(%arg19 : memref<!tpu.dma_semaphore, #tpu.memory_space<semaphore_mem>>)
    %dma_start3A_6 = tpu.memref_slice %arg3[%add3A_4] : memref<2097152xf32, #tpu.memory_space<hbm>> -> memref<2048xf32, #tpu.memory_space<hbm>>
    %dma_start3A_7 = tpu.memref_slice %arg3[%add3A_4] : memref<2097152xf32, #tpu.memory_space<hbm>> -> memref<2048xf32, #tpu.memory_space<hbm>>
    tpu.enqueue_dma source(%dma_start3A_7 : memref<2048xf32, #tpu.memory_space<hbm>>) target(%arg8 : memref<2048xf32, #tpu.memory_space<vmem>>) target_semaphore(%arg19 : memref<!tpu.dma_semaphore, #tpu.memory_space<semaphore_mem>>)
    %dma_start3A_8 = tpu.memref_slice %arg4[%add3A_4] : memref<2097152xf32, #tpu.memory_space<hbm>> -> memref<2048xf32, #tpu.memory_space<hbm>>
    %dma_start3A_9 = tpu.memref_slice %arg4[%add3A_4] : memref<2097152xf32, #tpu.memory_space<hbm>> -> memref<2048xf32, #tpu.memory_space<hbm>>
    tpu.enqueue_dma source(%dma_start3A_9 : memref<2048xf32, #tpu.memory_space<hbm>>) target(%arg9 : memref<2048xf32, #tpu.memory_space<vmem>>) target_semaphore(%arg19 : memref<!tpu.dma_semaphore, #tpu.memory_space<semaphore_mem>>)
    %mul3A_10 = arith.constant 65536 : i32
    %mul3A_11 = arith.muli %add3A, %mul3A_10 : i32
    %add3A_12 = arith.constant 2048 : i32
    %add3A_13 = arith.addi %mul3A_11, %add3A_12 : i32
    %dma_start3A_14 = tpu.memref_slice %arg2[%add3A_13] : memref<2097152xf32, #tpu.memory_space<hbm>> -> memref<2048xf32, #tpu.memory_space<hbm>>
    %dma_start3A_15 = tpu.memref_slice %arg2[%add3A_13] : memref<2097152xf32, #tpu.memory_space<hbm>> -> memref<2048xf32, #tpu.memory_space<hbm>>
    tpu.enqueue_dma source(%dma_start3A_15 : memref<2048xf32, #tpu.memory_space<hbm>>) target(%arg10 : memref<2048xf32, #tpu.memory_space<vmem>>) target_semaphore(%arg20 : memref<!tpu.dma_semaphore, #tpu.memory_space<semaphore_mem>>)
    %dma_start3A_16 = tpu.memref_slice %arg3[%add3A_13] : memref<2097152xf32, #tpu.memory_space<hbm>> -> memref<2048xf32, #tpu.memory_space<hbm>>
    %dma_start3A_17 = tpu.memref_slice %arg3[%add3A_13] : memref<2097152xf32, #tpu.memory_space<hbm>> -> memref<2048xf32, #tpu.memory_space<hbm>>
    tpu.enqueue_dma source(%dma_start3A_17 : memref<2048xf32, #tpu.memory_space<hbm>>) target(%arg11 : memref<2048xf32, #tpu.memory_space<vmem>>) target_semaphore(%arg20 : memref<!tpu.dma_semaphore, #tpu.memory_space<semaphore_mem>>)
    %dma_start3A_18 = tpu.memref_slice %arg4[%add3A_13] : memref<2097152xf32, #tpu.memory_space<hbm>> -> memref<2048xf32, #tpu.memory_space<hbm>>
    %dma_start3A_19 = tpu.memref_slice %arg4[%add3A_13] : memref<2097152xf32, #tpu.memory_space<hbm>> -> memref<2048xf32, #tpu.memory_space<hbm>>
    tpu.enqueue_dma source(%dma_start3A_19 : memref<2048xf32, #tpu.memory_space<hbm>>) target(%arg12 : memref<2048xf32, #tpu.memory_space<vmem>>) target_semaphore(%arg20 : memref<!tpu.dma_semaphore, #tpu.memory_space<semaphore_mem>>)
    %dma_wait3A = arith.constant 0 : i32
    %dma_wait3A_20 = tpu.memref_slice %arg2[%dma_wait3A] : memref<2097152xf32, #tpu.memory_space<hbm>> -> memref<2048xf32, #tpu.memory_space<hbm>>
    %dma_wait3A_21 = arith.constant 0 : i32
    %dma_wait3A_22 = tpu.memref_slice %arg2[%dma_wait3A_21] : memref<2097152xf32, #tpu.memory_space<hbm>> -> memref<2048xf32, #tpu.memory_space<hbm>>
    tpu.wait_dma2 semaphore(%arg19 : memref<!tpu.dma_semaphore, #tpu.memory_space<semaphore_mem>>) src(%dma_wait3A_22 : memref<2048xf32, #tpu.memory_space<hbm>>) dst(%arg7 : memref<2048xf32, #tpu.memory_space<vmem>>)
    %dma_wait3A_23 = arith.constant 0 : i32
    %dma_wait3A_24 = tpu.memref_slice %arg2[%dma_wait3A_23] : memref<2097152xf32, #tpu.memory_space<hbm>> -> memref<2048xf32, #tpu.memory_space<hbm>>
    %dma_wait3A_25 = arith.constant 0 : i32
    %dma_wait3A_26 = tpu.memref_slice %arg2[%dma_wait3A_25] : memref<2097152xf32, #tpu.memory_space<hbm>> -> memref<2048xf32, #tpu.memory_space<hbm>>
    tpu.wait_dma2 semaphore(%arg19 : memref<!tpu.dma_semaphore, #tpu.memory_space<semaphore_mem>>) src(%dma_wait3A_26 : memref<2048xf32, #tpu.memory_space<hbm>>) dst(%arg8 : memref<2048xf32, #tpu.memory_space<vmem>>)
    %dma_wait3A_27 = arith.constant 0 : i32
    %dma_wait3A_28 = tpu.memref_slice %arg2[%dma_wait3A_27] : memref<2097152xf32, #tpu.memory_space<hbm>> -> memref<2048xf32, #tpu.memory_space<hbm>>
    %dma_wait3A_29 = arith.constant 0 : i32
    %dma_wait3A_30 = tpu.memref_slice %arg2[%dma_wait3A_29] : memref<2097152xf32, #tpu.memory_space<hbm>> -> memref<2048xf32, #tpu.memory_space<hbm>>
    tpu.wait_dma2 semaphore(%arg19 : memref<!tpu.dma_semaphore, #tpu.memory_space<semaphore_mem>>) src(%dma_wait3A_30 : memref<2048xf32, #tpu.memory_space<hbm>>) dst(%arg9 : memref<2048xf32, #tpu.memory_space<vmem>>)
    %parallel_loop3A = arith.constant 0 : i32
    %parallel_loop3A_31 = arith.constant 128 : i32
    %parallel_loop3A_32 = arith.constant 1 : i32
    scf.for %parallel_loop3A_48 = %parallel_loop3A to %parallel_loop3A_31 step %parallel_loop3A_32  : i32 {
      %parallel_loop3A_49 = arith.constant 16 : i32
      %parallel_loop3A_50 = arith.muli %parallel_loop3A_48, %parallel_loop3A_49 : i32
      %parallel_loop3A_51 = arith.index_cast %parallel_loop3A_50 : i32 to index
      %parallel_loop3A_52 = tpu.vector_load %arg7[%parallel_loop3A_51] {strides = array<i32>} : memref<2048xf32, #tpu.memory_space<vmem>>, vector<16xf32>,
      %parallel_loop3A_53 = arith.constant 16 : i32
      %parallel_loop3A_54 = arith.muli %parallel_loop3A_48, %parallel_loop3A_53 : i32
      %parallel_loop3A_55 = arith.index_cast %parallel_loop3A_54 : i32 to index
      %parallel_loop3A_56 = tpu.vector_load %arg8[%parallel_loop3A_55] {strides = array<i32>} : memref<2048xf32, #tpu.memory_space<vmem>>, vector<16xf32>,
      %parallel_loop3A_57 = arith.constant 16 : i32
      %parallel_loop3A_58 = arith.muli %parallel_loop3A_48, %parallel_loop3A_57 : i32
      %parallel_loop3A_59 = arith.index_cast %parallel_loop3A_58 : i32 to index
      %parallel_loop3A_60 = tpu.vector_load %arg9[%parallel_loop3A_59] {strides = array<i32>} : memref<2048xf32, #tpu.memory_space<vmem>>, vector<16xf32>,
      %parallel_loop3A_61 = arith.constant 1.000000e+02 : f32
      %parallel_loop3A_62 = vector.broadcast %parallel_loop3A_61 : f32 to vector<16xf32>
      %parallel_loop3A_63 = arith.mulf %parallel_loop3A_52, %parallel_loop3A_62 : vector<16xf32>
      %parallel_loop3A_64 = arith.constant 0x4B000000 : f32
      %parallel_loop3A_65 = vector.broadcast %parallel_loop3A_64 : f32 to vector<16xf32>
      %parallel_loop3A_66 = arith.addf %parallel_loop3A_63, %parallel_loop3A_65 : vector<16xf32>
      %parallel_loop3A_67 = tpu.bitcast %parallel_loop3A_66 : vector<16xf32> -> vector<16xi32>
      %parallel_loop3A_68 = arith.constant 1258291200 : i32
      %parallel_loop3A_69 = vector.broadcast %parallel_loop3A_68 : i32 to vector<16xi32>
      %parallel_loop3A_70 = arith.subi %parallel_loop3A_67, %parallel_loop3A_69 : vector<16xi32>
      %parallel_loop3A_71 = arith.constant 99 : i32
      %parallel_loop3A_72 = vector.broadcast %parallel_loop3A_71 : i32 to vector<16xi32>
      %parallel_loop3A_73 = arith.minsi %parallel_loop3A_70, %parallel_loop3A_72 : vector<16xi32>
      %parallel_loop3A_74 = arith.constant 1.024000e+03 : f32
      %parallel_loop3A_75 = vector.broadcast %parallel_loop3A_74 : f32 to vector<16xf32>
      %parallel_loop3A_76 = arith.mulf %parallel_loop3A_56, %parallel_loop3A_75 : vector<16xf32>
      %parallel_loop3A_77 = arith.constant 0x4B000000 : f32
      %parallel_loop3A_78 = vector.broadcast %parallel_loop3A_77 : f32 to vector<16xf32>
      %parallel_loop3A_79 = arith.addf %parallel_loop3A_76, %parallel_loop3A_78 : vector<16xf32>
      %parallel_loop3A_80 = tpu.bitcast %parallel_loop3A_79 : vector<16xf32> -> vector<16xi32>
      %parallel_loop3A_81 = arith.constant 1258291200 : i32
      %parallel_loop3A_82 = vector.broadcast %parallel_loop3A_81 : i32 to vector<16xi32>
      %parallel_loop3A_83 = arith.subi %parallel_loop3A_80, %parallel_loop3A_82 : vector<16xi32>
      %parallel_loop3A_84 = arith.constant 1023 : i32
      %parallel_loop3A_85 = vector.broadcast %parallel_loop3A_84 : i32 to vector<16xi32>
      %parallel_loop3A_86 = arith.minsi %parallel_loop3A_83, %parallel_loop3A_85 : vector<16xi32>
      %parallel_loop3A_87 = arith.constant 1.024000e+03 : f32
      %parallel_loop3A_88 = vector.broadcast %parallel_loop3A_87 : f32 to vector<16xf32>
      %parallel_loop3A_89 = arith.mulf %parallel_loop3A_60, %parallel_loop3A_88 : vector<16xf32>
      %parallel_loop3A_90 = arith.constant 0x4B000000 : f32
      %parallel_loop3A_91 = vector.broadcast %parallel_loop3A_90 : f32 to vector<16xf32>
      %parallel_loop3A_92 = arith.addf %parallel_loop3A_89, %parallel_loop3A_91 : vector<16xf32>
      %parallel_loop3A_93 = tpu.bitcast %parallel_loop3A_92 : vector<16xf32> -> vector<16xi32>
      %parallel_loop3A_94 = arith.constant 1258291200 : i32
      %parallel_loop3A_95 = vector.broadcast %parallel_loop3A_94 : i32 to vector<16xi32>
      %parallel_loop3A_96 = arith.subi %parallel_loop3A_93, %parallel_loop3A_95 : vector<16xi32>
      %parallel_loop3A_97 = arith.constant 1023 : i32
      %parallel_loop3A_98 = vector.broadcast %parallel_loop3A_97 : i32 to vector<16xi32>
      %parallel_loop3A_99 = arith.minsi %parallel_loop3A_96, %parallel_loop3A_98 : vector<16xi32>
      %parallel_loop3A_100 = arith.constant 3072 : i32
      %parallel_loop3A_101 = vector.broadcast %parallel_loop3A_100 : i32 to vector<16xi32>
      %parallel_loop3A_102 = arith.muli %parallel_loop3A_73, %parallel_loop3A_101 : vector<16xi32>
      %parallel_loop3A_103 = arith.addi %parallel_loop3A_102, %parallel_loop3A_86 : vector<16xi32>
      %parallel_loop3A_104 = arith.constant 3 : i32
      %parallel_loop3A_105 = vector.broadcast %parallel_loop3A_104 : i32 to vector<16xi32>
      %parallel_loop3A_106 = arith.shrsi %parallel_loop3A_103, %parallel_loop3A_105 : vector<16xi32>
      %parallel_loop3A_107 = arith.constant 13 : i32
      %parallel_loop3A_108 = vector.broadcast %parallel_loop3A_107 : i32 to vector<16xi32>
      %parallel_loop3A_109 = arith.shli %parallel_loop3A_106, %parallel_loop3A_108 : vector<16xi32>
      %parallel_loop3A_110 = arith.constant 7 : i32
      %parallel_loop3A_111 = vector.broadcast %parallel_loop3A_110 : i32 to vector<16xi32>
      %parallel_loop3A_112 = arith.shrsi %parallel_loop3A_99, %parallel_loop3A_111 : vector<16xi32>
      %parallel_loop3A_113 = arith.constant 10 : i32
      %parallel_loop3A_114 = vector.broadcast %parallel_loop3A_113 : i32 to vector<16xi32>
      %parallel_loop3A_115 = arith.shli %parallel_loop3A_112, %parallel_loop3A_114 : vector<16xi32>
      %parallel_loop3A_116 = arith.ori %parallel_loop3A_109, %parallel_loop3A_115 : vector<16xi32>
      %parallel_loop3A_117 = arith.constant 7 : i32
      %parallel_loop3A_118 = vector.broadcast %parallel_loop3A_117 : i32 to vector<16xi32>
      %parallel_loop3A_119 = arith.andi %parallel_loop3A_103, %parallel_loop3A_118 : vector<16xi32>
      %parallel_loop3A_120 = arith.constant 7 : i32
      %parallel_loop3A_121 = vector.broadcast %parallel_loop3A_120 : i32 to vector<16xi32>
      %parallel_loop3A_122 = arith.shli %parallel_loop3A_119, %parallel_loop3A_121 : vector<16xi32>
      %parallel_loop3A_123 = arith.ori %parallel_loop3A_116, %parallel_loop3A_122 : vector<16xi32>
      %parallel_loop3A_124 = arith.constant 127 : i32
      %parallel_loop3A_125 = vector.broadcast %parallel_loop3A_124 : i32 to vector<16xi32>
      %parallel_loop3A_126 = arith.andi %parallel_loop3A_99, %parallel_loop3A_125 : vector<16xi32>
      %parallel_loop3A_127 = arith.ori %parallel_loop3A_123, %parallel_loop3A_126 : vector<16xi32>
      %parallel_loop3A_128 = arith.constant 8 : i32
      %parallel_loop3A_129 = arith.divsi %parallel_loop3A_48, %parallel_loop3A_128 : i32
      %parallel_loop3A_130 = arith.constant 0 : i32
      %parallel_loop3A_131 = arith.cmpi sgt, %parallel_loop3A_48, %parallel_loop3A_130 : i32
      %parallel_loop3A_132 = arith.extui %parallel_loop3A_131 : i1 to i32
      %parallel_loop3A_133 = arith.constant 0 : i32
      %parallel_loop3A_134 = arith.cmpi slt, %parallel_loop3A_48, %parallel_loop3A_133 : i32
      %parallel_loop3A_135 = arith.extui %parallel_loop3A_134 : i1 to i32
      %parallel_loop3A_136 = arith.subi %parallel_loop3A_132, %parallel_loop3A_135 : i32
      %parallel_loop3A_137 = arith.constant 0 : i32
      %parallel_loop3A_138 = arith.cmpi sgt, %parallel_loop3A_128, %parallel_loop3A_137 : i32
      %parallel_loop3A_139 = arith.extui %parallel_loop3A_138 : i1 to i32
      %parallel_loop3A_140 = arith.constant 0 : i32
      %parallel_loop3A_141 = arith.cmpi slt, %parallel_loop3A_128, %parallel_loop3A_140 : i32
      %parallel_loop3A_142 = arith.extui %parallel_loop3A_141 : i1 to i32
      %parallel_loop3A_143 = arith.subi %parallel_loop3A_139, %parallel_loop3A_142 : i32
      %parallel_loop3A_144 = arith.cmpi ne, %parallel_loop3A_136, %parallel_loop3A_143 : i32
      %parallel_loop3A_145 = arith.remsi %parallel_loop3A_48, %parallel_loop3A_128 : i32
      %parallel_loop3A_146 = arith.constant 0 : i32
      %parallel_loop3A_147 = arith.cmpi ne, %parallel_loop3A_145, %parallel_loop3A_146 : i32
      %parallel_loop3A_148 = arith.andi %parallel_loop3A_144, %parallel_loop3A_147 : i1
      %parallel_loop3A_149 = arith.constant 1 : i32
      %parallel_loop3A_150 = arith.subi %parallel_loop3A_129, %parallel_loop3A_149 : i32
      %parallel_loop3A_151 = arith.select %parallel_loop3A_148, %parallel_loop3A_150, %parallel_loop3A_129 : i32
      %parallel_loop3A_152 = arith.constant 384 : i32
      %parallel_loop3A_153 = arith.muli %parallel_loop3A_151, %parallel_loop3A_152 : i32
      %parallel_loop3A_154 = arith.constant 8 : i32
      %parallel_loop3A_155 = arith.constant 0 : i32
      %parallel_loop3A_156 = arith.cmpi eq, %parallel_loop3A_154, %parallel_loop3A_155 : i32
      %parallel_loop3A_157 = arith.constant 1 : i32
      %parallel_loop3A_158 = arith.select %parallel_loop3A_156, %parallel_loop3A_157, %parallel_loop3A_154 : i32
      %parallel_loop3A_159 = arith.remsi %parallel_loop3A_48, %parallel_loop3A_158 : i32
      %parallel_loop3A_160 = arith.constant 0 : i32
      %parallel_loop3A_161 = arith.cmpi ne, %parallel_loop3A_159, %parallel_loop3A_160 : i32
      %parallel_loop3A_162 = arith.constant 0 : i32
      %parallel_loop3A_163 = arith.cmpi slt, %parallel_loop3A_159, %parallel_loop3A_162 : i32
      %parallel_loop3A_164 = arith.constant 0 : i32
      %parallel_loop3A_165 = arith.cmpi slt, %parallel_loop3A_158, %parallel_loop3A_164 : i32
      %parallel_loop3A_166 = arith.xori %parallel_loop3A_163, %parallel_loop3A_165 : i1
      %parallel_loop3A_167 = arith.andi %parallel_loop3A_166, %parallel_loop3A_161 : i1
      %parallel_loop3A_168 = arith.addi %parallel_loop3A_159, %parallel_loop3A_158 : i32
      %parallel_loop3A_169 = arith.select %parallel_loop3A_167, %parallel_loop3A_168, %parallel_loop3A_159 : i32
      %parallel_loop3A_170 = arith.constant 16 : i32
      %parallel_loop3A_171 = arith.muli %parallel_loop3A_169, %parallel_loop3A_170 : i32
      %parallel_loop3A_172 = arith.addi %parallel_loop3A_153, %parallel_loop3A_171 : i32
      %parallel_loop3A_173 = arith.index_cast %parallel_loop3A_172 : i32 to index
      %parallel_loop3A_174 = tpu.vector_load %arg13[%parallel_loop3A_173] {strides = array<i32>} : memref<6144xi32, #tpu.memory_space<vmem>>, vector<16xi32>,
      tpu.vector_store %arg13[%parallel_loop3A_173], %parallel_loop3A_127 {strides = array<i32>} : memref<6144xi32, #tpu.memory_space<vmem>>, vector<16xi32>,
      %parallel_loop3A_175 = arith.constant 1048576 : i32
      %parallel_loop3A_176 = vector.broadcast %parallel_loop3A_175 : i32 to vector<16xi32>
      %parallel_loop3A_177 = arith.addi %parallel_loop3A_127, %parallel_loop3A_176 : vector<16xi32>
      %parallel_loop3A_178 = arith.constant 128 : i32
      %parallel_loop3A_179 = arith.addi %parallel_loop3A_172, %parallel_loop3A_178 : i32
      %parallel_loop3A_180 = arith.index_cast %parallel_loop3A_179 : i32 to index
      %parallel_loop3A_181 = tpu.vector_load %arg13[%parallel_loop3A_180] {strides = array<i32>} : memref<6144xi32, #tpu.memory_space<vmem>>, vector<16xi32>,
      tpu.vector_store %arg13[%parallel_loop3A_180], %parallel_loop3A_177 {strides = array<i32>} : memref<6144xi32, #tpu.memory_space<vmem>>, vector<16xi32>,
      %parallel_loop3A_182 = arith.constant 2097152 : i32
      %parallel_loop3A_183 = vector.broadcast %parallel_loop3A_182 : i32 to vector<16xi32>
      %parallel_loop3A_184 = arith.addi %parallel_loop3A_127, %parallel_loop3A_183 : vector<16xi32>
      %parallel_loop3A_185 = arith.constant 256 : i32
      %parallel_loop3A_186 = arith.addi %parallel_loop3A_172, %parallel_loop3A_185 : i32
      %parallel_loop3A_187 = arith.index_cast %parallel_loop3A_186 : i32 to index
      %parallel_loop3A_188 = tpu.vector_load %arg13[%parallel_loop3A_187] {strides = array<i32>} : memref<6144xi32, #tpu.memory_space<vmem>>, vector<16xi32>,
      tpu.vector_store %arg13[%parallel_loop3A_187], %parallel_loop3A_184 {strides = array<i32>} : memref<6144xi32, #tpu.memory_space<vmem>>, vector<16xi32>,
    } {sc.loop_unroll_factor = 4 : i64, sc.parallel_access}
    %scan3A = arith.constant 0 : i32
    %scan3A_33 = arith.constant 0 : i32
    %scan3A_34 = arith.constant 16 : i32
    %scan3A_35 = arith.addi %scan3A_33, %scan3A_34 : i32
    %scan3A_36 = arith.constant 1 : i32
    scf.for %scan3A_48 = %scan3A_33 to %scan3A_35 step %scan3A_36  : i32 {
      %mul3A_49 = arith.constant 384 : i32
      %mul3A_50 = arith.muli %scan3A_48, %mul3A_49 : i32
      %add3A_51 = arith.constant 0 : i32
      %add3A_52 = arith.addi %mul3A_50, %add3A_51 : i32
      %mul3A_53 = arith.constant 512 : i32
      %mul3A_54 = arith.muli %scan3A_48, %mul3A_53 : i32
      %add3A_55 = arith.constant 0 : i32
      %add3A_56 = arith.addi %mul3A_54, %add3A_55 : i32
      %dma_start3A_57 = tpu.memref_slice %arg15[%add3A_56] : memref<8192xf32, #tpu.memory_space<vmem>> -> memref<128xf32, #tpu.memory_space<vmem>>
      %dma_start3A_58 = tpu.memref_slice %arg13[%add3A_52] : memref<6144xi32, #tpu.memory_space<vmem>> -> memref<128xi32, #tpu.memory_space<vmem>>
      %dma_start3A_59 = arith.constant 0 : i32
      %dma_start3A_60 = tpu.memref_slice %arg5[%dma_start3A_59] : memref<314572800xf32, #tpu.memory_space<hbm>> -> memref<314572800xf32, #tpu.memory_space<hbm>>
      tpu.enqueue_indirect_dma source(%dma_start3A_60 : memref<314572800xf32, #tpu.memory_space<hbm>>) target(%dma_start3A_57 : memref<128xf32, #tpu.memory_space<vmem>>) offsets(%dma_start3A_58 : memref<128xi32, #tpu.memory_space<vmem>>) semaphore(%arg17 : memref<!tpu.dma_semaphore, #tpu.memory_space<semaphore_mem>>)
      %mul3A_61 = arith.constant 384 : i32
      %mul3A_62 = arith.muli %scan3A_48, %mul3A_61 : i32
      %add3A_63 = arith.constant 128 : i32
      %add3A_64 = arith.addi %mul3A_62, %add3A_63 : i32
      %mul3A_65 = arith.constant 512 : i32
      %mul3A_66 = arith.muli %scan3A_48, %mul3A_65 : i32
      %add3A_67 = arith.constant 128 : i32
      %add3A_68 = arith.addi %mul3A_66, %add3A_67 : i32
      %dma_start3A_69 = tpu.memref_slice %arg15[%add3A_68] : memref<8192xf32, #tpu.memory_space<vmem>> -> memref<128xf32, #tpu.memory_space<vmem>>
      %dma_start3A_70 = tpu.memref_slice %arg13[%add3A_64] : memref<6144xi32, #tpu.memory_space<vmem>> -> memref<128xi32, #tpu.memory_space<vmem>>
      %dma_start3A_71 = arith.constant 0 : i32
      %dma_start3A_72 = tpu.memref_slice %arg5[%dma_start3A_71] : memref<314572800xf32, #tpu.memory_space<hbm>> -> memref<314572800xf32, #tpu.memory_space<hbm>>
      tpu.enqueue_indirect_dma source(%dma_start3A_72 : memref<314572800xf32, #tpu.memory_space<hbm>>) target(%dma_start3A_69 : memref<128xf32, #tpu.memory_space<vmem>>) offsets(%dma_start3A_70 : memref<128xi32, #tpu.memory_space<vmem>>) semaphore(%arg17 : memref<!tpu.dma_semaphore, #tpu.memory_space<semaphore_mem>>)
      %mul3A_73 = arith.constant 384 : i32
      %mul3A_74 = arith.muli %scan3A_48, %mul3A_73 : i32
      %add3A_75 = arith.constant 256 : i32
      %add3A_76 = arith.addi %mul3A_74, %add3A_75 : i32
      %mul3A_77 = arith.constant 512 : i32
      %mul3A_78 = arith.muli %scan3A_48, %mul3A_77 : i32
      %add3A_79 = arith.constant 256 : i32
      %add3A_80 = arith.addi %mul3A_78, %add3A_79 : i32
      %dma_start3A_81 = tpu.memref_slice %arg15[%add3A_80] : memref<8192xf32, #tpu.memory_space<vmem>> -> memref<128xf32, #tpu.memory_space<vmem>>
      %dma_start3A_82 = tpu.memref_slice %arg13[%add3A_76] : memref<6144xi32, #tpu.memory_space<vmem>> -> memref<128xi32, #tpu.memory_space<vmem>>
      %dma_start3A_83 = arith.constant 0 : i32
      %dma_start3A_84 = tpu.memref_slice %arg5[%dma_start3A_83] : memref<314572800xf32, #tpu.memory_space<hbm>> -> memref<314572800xf32, #tpu.memory_space<hbm>>
      tpu.enqueue_indirect_dma source(%dma_start3A_84 : memref<314572800xf32, #tpu.memory_space<hbm>>) target(%dma_start3A_81 : memref<128xf32, #tpu.memory_space<vmem>>) offsets(%dma_start3A_82 : memref<128xi32, #tpu.memory_space<vmem>>) semaphore(%arg17 : memref<!tpu.dma_semaphore, #tpu.memory_space<semaphore_mem>>)
    }
    %scan3A_37 = arith.constant 16 : i32
    %scan3A_38 = arith.constant 0 : i32
    %scan3A_39 = arith.constant 0 : i32
    %scan3A_40 = arith.constant 16 : i32
    %scan3A_41 = arith.addi %scan3A_39, %scan3A_40 : i32
    %scan3A_42 = arith.constant 1 : i32
    scf.for %scan3A_48 = %scan3A_39 to %scan3A_41 step %scan3A_42  : i32 {
      %mul3A_49 = arith.constant 2 : i32
      %mul3A_50 = arith.muli %mul3A_49, %scan3A_48 : i32
      %add3A_51 = arith.constant 2 : i32
      %add3A_52 = arith.addi %mul3A_50, %add3A_51 : i32
      %lt3A = arith.constant 32 : i32
      %lt3A_53 = arith.cmpi slt, %add3A_52, %lt3A : i32
      %convert_element_type3A = arith.extui %lt3A_53 : i1 to i32
      %cond3A = arith.constant 0 : i32
      %cond3A_54 = arith.cmpi ne, %convert_element_type3A, %cond3A : i32
      scf.if %cond3A_54 {
        %add3A_141 = arith.constant 2 : i32
        %add3A_142 = arith.addi %mul3A_50, %add3A_141 : i32
        %mul3A_143 = arith.constant 65536 : i32
        %mul3A_144 = arith.muli %add3A, %mul3A_143 : i32
        %mul3A_145 = arith.constant 2048 : i32
        %mul3A_146 = arith.muli %add3A_142, %mul3A_145 : i32
        %add3A_147 = arith.addi %mul3A_144, %mul3A_146 : i32
        %dma_start3A_148 = tpu.memref_slice %arg2[%add3A_147] : memref<2097152xf32, #tpu.memory_space<hbm>> -> memref<2048xf32, #tpu.memory_space<hbm>>
        %dma_start3A_149 = tpu.memref_slice %arg2[%add3A_147] : memref<2097152xf32, #tpu.memory_space<hbm>> -> memref<2048xf32, #tpu.memory_space<hbm>>
        tpu.enqueue_dma source(%dma_start3A_149 : memref<2048xf32, #tpu.memory_space<hbm>>) target(%arg7 : memref<2048xf32, #tpu.memory_space<vmem>>) target_semaphore(%arg19 : memref<!tpu.dma_semaphore, #tpu.memory_space<semaphore_mem>>)
        %dma_start3A_150 = tpu.memref_slice %arg3[%add3A_147] : memref<2097152xf32, #tpu.memory_space<hbm>> -> memref<2048xf32, #tpu.memory_space<hbm>>
        %dma_start3A_151 = tpu.memref_slice %arg3[%add3A_147] : memref<2097152xf32, #tpu.memory_space<hbm>> -> memref<2048xf32, #tpu.memory_space<hbm>>
        tpu.enqueue_dma source(%dma_start3A_151 : memref<2048xf32, #tpu.memory_space<hbm>>) target(%arg8 : memref<2048xf32, #tpu.memory_space<vmem>>) target_semaphore(%arg19 : memref<!tpu.dma_semaphore, #tpu.memory_space<semaphore_mem>>)
        %dma_start3A_152 = tpu.memref_slice %arg4[%add3A_147] : memref<2097152xf32, #tpu.memory_space<hbm>> -> memref<2048xf32, #tpu.memory_space<hbm>>
        %dma_start3A_153 = tpu.memref_slice %arg4[%add3A_147] : memref<2097152xf32, #tpu.memory_space<hbm>> -> memref<2048xf32, #tpu.memory_space<hbm>>
        tpu.enqueue_dma source(%dma_start3A_153 : memref<2048xf32, #tpu.memory_space<hbm>>) target(%arg9 : memref<2048xf32, #tpu.memory_space<vmem>>) target_semaphore(%arg19 : memref<!tpu.dma_semaphore, #tpu.memory_space<semaphore_mem>>)
      } else {
      }
      %dma_wait3A_55 = arith.constant 0 : i32
      %dma_wait3A_56 = tpu.memref_slice %arg2[%dma_wait3A_55] : memref<2097152xf32, #tpu.memory_space<hbm>> -> memref<2048xf32, #tpu.memory_space<hbm>>
      %dma_wait3A_57 = arith.constant 0 : i32
      %dma_wait3A_58 = tpu.memref_slice %arg2[%dma_wait3A_57] : memref<2097152xf32, #tpu.memory_space<hbm>> -> memref<2048xf32, #tpu.memory_space<hbm>>
      tpu.wait_dma2 semaphore(%arg20 : memref<!tpu.dma_semaphore, #tpu.memory_space<semaphore_mem>>) src(%dma_wait3A_58 : memref<2048xf32, #tpu.memory_space<hbm>>) dst(%arg10 : memref<2048xf32, #tpu.memory_space<vmem>>)
      %dma_wait3A_59 = arith.constant 0 : i32
      %dma_wait3A_60 = tpu.memref_slice %arg2[%dma_wait3A_59] : memref<2097152xf32, #tpu.memory_space<hbm>> -> memref<2048xf32, #tpu.memory_space<hbm>>
      %dma_wait3A_61 = arith.constant 0 : i32
      %dma_wait3A_62 = tpu.memref_slice %arg2[%dma_wait3A_61] : memref<2097152xf32, #tpu.memory_space<hbm>> -> memref<2048xf32, #tpu.memory_space<hbm>>
      tpu.wait_dma2 semaphore(%arg20 : memref<!tpu.dma_semaphore, #tpu.memory_space<semaphore_mem>>) src(%dma_wait3A_62 : memref<2048xf32, #tpu.memory_space<hbm>>) dst(%arg11 : memref<2048xf32, #tpu.memory_space<vmem>>)
      %dma_wait3A_63 = arith.constant 0 : i32
      %dma_wait3A_64 = tpu.memref_slice %arg2[%dma_wait3A_63] : memref<2097152xf32, #tpu.memory_space<hbm>> -> memref<2048xf32, #tpu.memory_space<hbm>>
      %dma_wait3A_65 = arith.constant 0 : i32
      %dma_wait3A_66 = tpu.memref_slice %arg2[%dma_wait3A_65] : memref<2097152xf32, #tpu.memory_space<hbm>> -> memref<2048xf32, #tpu.memory_space<hbm>>
      tpu.wait_dma2 semaphore(%arg20 : memref<!tpu.dma_semaphore, #tpu.memory_space<semaphore_mem>>) src(%dma_wait3A_66 : memref<2048xf32, #tpu.memory_space<hbm>>) dst(%arg12 : memref<2048xf32, #tpu.memory_space<vmem>>)
      %parallel_loop3A_67 = arith.constant 0 : i32
      %parallel_loop3A_68 = arith.constant 128 : i32
      %parallel_loop3A_69 = arith.constant 1 : i32
      scf.for %parallel_loop3A_141 = %parallel_loop3A_67 to %parallel_loop3A_68 step %parallel_loop3A_69  : i32 {
        %parallel_loop3A_142 = arith.constant 16 : i32
        %parallel_loop3A_143 = arith.muli %parallel_loop3A_141, %parallel_loop3A_142 : i32
        %parallel_loop3A_144 = arith.index_cast %parallel_loop3A_143 : i32 to index
        %parallel_loop3A_145 = tpu.vector_load %arg10[%parallel_loop3A_144] {strides = array<i32>} : memref<2048xf32, #tpu.memory_space<vmem>>, vector<16xf32>,
        %parallel_loop3A_146 = arith.constant 16 : i32
        %parallel_loop3A_147 = arith.muli %parallel_loop3A_141, %parallel_loop3A_146 : i32
        %parallel_loop3A_148 = arith.index_cast %parallel_loop3A_147 : i32 to index
        %parallel_loop3A_149 = tpu.vector_load %arg11[%parallel_loop3A_148] {strides = array<i32>} : memref<2048xf32, #tpu.memory_space<vmem>>, vector<16xf32>,
        %parallel_loop3A_150 = arith.constant 16 : i32
        %parallel_loop3A_151 = arith.muli %parallel_loop3A_141, %parallel_loop3A_150 : i32
        %parallel_loop3A_152 = arith.index_cast %parallel_loop3A_151 : i32 to index
        %parallel_loop3A_153 = tpu.vector_load %arg12[%parallel_loop3A_152] {strides = array<i32>} : memref<2048xf32, #tpu.memory_space<vmem>>, vector<16xf32>,
        %parallel_loop3A_154 = arith.constant 1.000000e+02 : f32
        %parallel_loop3A_155 = vector.broadcast %parallel_loop3A_154 : f32 to vector<16xf32>
        %parallel_loop3A_156 = arith.mulf %parallel_loop3A_145, %parallel_loop3A_155 : vector<16xf32>
        %parallel_loop3A_157 = arith.constant 0x4B000000 : f32
        %parallel_loop3A_158 = vector.broadcast %parallel_loop3A_157 : f32 to vector<16xf32>
        %parallel_loop3A_159 = arith.addf %parallel_loop3A_156, %parallel_loop3A_158 : vector<16xf32>
        %parallel_loop3A_160 = tpu.bitcast %parallel_loop3A_159 : vector<16xf32> -> vector<16xi32>
        %parallel_loop3A_161 = arith.constant 1258291200 : i32
        %parallel_loop3A_162 = vector.broadcast %parallel_loop3A_161 : i32 to vector<16xi32>
        %parallel_loop3A_163 = arith.subi %parallel_loop3A_160, %parallel_loop3A_162 : vector<16xi32>
        %parallel_loop3A_164 = arith.constant 99 : i32
        %parallel_loop3A_165 = vector.broadcast %parallel_loop3A_164 : i32 to vector<16xi32>
        %parallel_loop3A_166 = arith.minsi %parallel_loop3A_163, %parallel_loop3A_165 : vector<16xi32>
        %parallel_loop3A_167 = arith.constant 1.024000e+03 : f32
        %parallel_loop3A_168 = vector.broadcast %parallel_loop3A_167 : f32 to vector<16xf32>
        %parallel_loop3A_169 = arith.mulf %parallel_loop3A_149, %parallel_loop3A_168 : vector<16xf32>
        %parallel_loop3A_170 = arith.constant 0x4B000000 : f32
        %parallel_loop3A_171 = vector.broadcast %parallel_loop3A_170 : f32 to vector<16xf32>
        %parallel_loop3A_172 = arith.addf %parallel_loop3A_169, %parallel_loop3A_171 : vector<16xf32>
        %parallel_loop3A_173 = tpu.bitcast %parallel_loop3A_172 : vector<16xf32> -> vector<16xi32>
        %parallel_loop3A_174 = arith.constant 1258291200 : i32
        %parallel_loop3A_175 = vector.broadcast %parallel_loop3A_174 : i32 to vector<16xi32>
        %parallel_loop3A_176 = arith.subi %parallel_loop3A_173, %parallel_loop3A_175 : vector<16xi32>
        %parallel_loop3A_177 = arith.constant 1023 : i32
        %parallel_loop3A_178 = vector.broadcast %parallel_loop3A_177 : i32 to vector<16xi32>
        %parallel_loop3A_179 = arith.minsi %parallel_loop3A_176, %parallel_loop3A_178 : vector<16xi32>
        %parallel_loop3A_180 = arith.constant 1.024000e+03 : f32
        %parallel_loop3A_181 = vector.broadcast %parallel_loop3A_180 : f32 to vector<16xf32>
        %parallel_loop3A_182 = arith.mulf %parallel_loop3A_153, %parallel_loop3A_181 : vector<16xf32>
        %parallel_loop3A_183 = arith.constant 0x4B000000 : f32
        %parallel_loop3A_184 = vector.broadcast %parallel_loop3A_183 : f32 to vector<16xf32>
        %parallel_loop3A_185 = arith.addf %parallel_loop3A_182, %parallel_loop3A_184 : vector<16xf32>
        %parallel_loop3A_186 = tpu.bitcast %parallel_loop3A_185 : vector<16xf32> -> vector<16xi32>
        %parallel_loop3A_187 = arith.constant 1258291200 : i32
        %parallel_loop3A_188 = vector.broadcast %parallel_loop3A_187 : i32 to vector<16xi32>
        %parallel_loop3A_189 = arith.subi %parallel_loop3A_186, %parallel_loop3A_188 : vector<16xi32>
        %parallel_loop3A_190 = arith.constant 1023 : i32
        %parallel_loop3A_191 = vector.broadcast %parallel_loop3A_190 : i32 to vector<16xi32>
        %parallel_loop3A_192 = arith.minsi %parallel_loop3A_189, %parallel_loop3A_191 : vector<16xi32>
        %parallel_loop3A_193 = arith.constant 3072 : i32
        %parallel_loop3A_194 = vector.broadcast %parallel_loop3A_193 : i32 to vector<16xi32>
        %parallel_loop3A_195 = arith.muli %parallel_loop3A_166, %parallel_loop3A_194 : vector<16xi32>
        %parallel_loop3A_196 = arith.addi %parallel_loop3A_195, %parallel_loop3A_179 : vector<16xi32>
        %parallel_loop3A_197 = arith.constant 3 : i32
        %parallel_loop3A_198 = vector.broadcast %parallel_loop3A_197 : i32 to vector<16xi32>
        %parallel_loop3A_199 = arith.shrsi %parallel_loop3A_196, %parallel_loop3A_198 : vector<16xi32>
        %parallel_loop3A_200 = arith.constant 13 : i32
        %parallel_loop3A_201 = vector.broadcast %parallel_loop3A_200 : i32 to vector<16xi32>
        %parallel_loop3A_202 = arith.shli %parallel_loop3A_199, %parallel_loop3A_201 : vector<16xi32>
        %parallel_loop3A_203 = arith.constant 7 : i32
        %parallel_loop3A_204 = vector.broadcast %parallel_loop3A_203 : i32 to vector<16xi32>
        %parallel_loop3A_205 = arith.shrsi %parallel_loop3A_192, %parallel_loop3A_204 : vector<16xi32>
        %parallel_loop3A_206 = arith.constant 10 : i32
        %parallel_loop3A_207 = vector.broadcast %parallel_loop3A_206 : i32 to vector<16xi32>
        %parallel_loop3A_208 = arith.shli %parallel_loop3A_205, %parallel_loop3A_207 : vector<16xi32>
        %parallel_loop3A_209 = arith.ori %parallel_loop3A_202, %parallel_loop3A_208 : vector<16xi32>
        %parallel_loop3A_210 = arith.constant 7 : i32
        %parallel_loop3A_211 = vector.broadcast %parallel_loop3A_210 : i32 to vector<16xi32>
        %parallel_loop3A_212 = arith.andi %parallel_loop3A_196, %parallel_loop3A_211 : vector<16xi32>
        %parallel_loop3A_213 = arith.constant 7 : i32
        %parallel_loop3A_214 = vector.broadcast %parallel_loop3A_213 : i32 to vector<16xi32>
        %parallel_loop3A_215 = arith.shli %parallel_loop3A_212, %parallel_loop3A_214 : vector<16xi32>
        %parallel_loop3A_216 = arith.ori %parallel_loop3A_209, %parallel_loop3A_215 : vector<16xi32>
        %parallel_loop3A_217 = arith.constant 127 : i32
        %parallel_loop3A_218 = vector.broadcast %parallel_loop3A_217 : i32 to vector<16xi32>
        %parallel_loop3A_219 = arith.andi %parallel_loop3A_192, %parallel_loop3A_218 : vector<16xi32>
        %parallel_loop3A_220 = arith.ori %parallel_loop3A_216, %parallel_loop3A_219 : vector<16xi32>
        %parallel_loop3A_221 = arith.constant 8 : i32
        %parallel_loop3A_222 = arith.divsi %parallel_loop3A_141, %parallel_loop3A_221 : i32
        %parallel_loop3A_223 = arith.constant 0 : i32
        %parallel_loop3A_224 = arith.cmpi sgt, %parallel_loop3A_141, %parallel_loop3A_223 : i32
        %parallel_loop3A_225 = arith.extui %parallel_loop3A_224 : i1 to i32
        %parallel_loop3A_226 = arith.constant 0 : i32
        %parallel_loop3A_227 = arith.cmpi slt, %parallel_loop3A_141, %parallel_loop3A_226 : i32
        %parallel_loop3A_228 = arith.extui %parallel_loop3A_227 : i1 to i32
        %parallel_loop3A_229 = arith.subi %parallel_loop3A_225, %parallel_loop3A_228 : i32
        %parallel_loop3A_230 = arith.constant 0 : i32
        %parallel_loop3A_231 = arith.cmpi sgt, %parallel_loop3A_221, %parallel_loop3A_230 : i32
        %parallel_loop3A_232 = arith.extui %parallel_loop3A_231 : i1 to i32
        %parallel_loop3A_233 = arith.constant 0 : i32
        %parallel_loop3A_234 = arith.cmpi slt, %parallel_loop3A_221, %parallel_loop3A_233 : i32
        %parallel_loop3A_235 = arith.extui %parallel_loop3A_234 : i1 to i32
        %parallel_loop3A_236 = arith.subi %parallel_loop3A_232, %parallel_loop3A_235 : i32
        %parallel_loop3A_237 = arith.cmpi ne, %parallel_loop3A_229, %parallel_loop3A_236 : i32
        %parallel_loop3A_238 = arith.remsi %parallel_loop3A_141, %parallel_loop3A_221 : i32
        %parallel_loop3A_239 = arith.constant 0 : i32
        %parallel_loop3A_240 = arith.cmpi ne, %parallel_loop3A_238, %parallel_loop3A_239 : i32
        %parallel_loop3A_241 = arith.andi %parallel_loop3A_237, %parallel_loop3A_240 : i1
        %parallel_loop3A_242 = arith.constant 1 : i32
        %parallel_loop3A_243 = arith.subi %parallel_loop3A_222, %parallel_loop3A_242 : i32
        %parallel_loop3A_244 = arith.select %parallel_loop3A_241, %parallel_loop3A_243, %parallel_loop3A_222 : i32
        %parallel_loop3A_245 = arith.constant 384 : i32
        %parallel_loop3A_246 = arith.muli %parallel_loop3A_244, %parallel_loop3A_245 : i32
        %parallel_loop3A_247 = arith.constant 8 : i32
        %parallel_loop3A_248 = arith.constant 0 : i32
        %parallel_loop3A_249 = arith.cmpi eq, %parallel_loop3A_247, %parallel_loop3A_248 : i32
        %parallel_loop3A_250 = arith.constant 1 : i32
        %parallel_loop3A_251 = arith.select %parallel_loop3A_249, %parallel_loop3A_250, %parallel_loop3A_247 : i32
        %parallel_loop3A_252 = arith.remsi %parallel_loop3A_141, %parallel_loop3A_251 : i32
        %parallel_loop3A_253 = arith.constant 0 : i32
        %parallel_loop3A_254 = arith.cmpi ne, %parallel_loop3A_252, %parallel_loop3A_253 : i32
        %parallel_loop3A_255 = arith.constant 0 : i32
        %parallel_loop3A_256 = arith.cmpi slt, %parallel_loop3A_252, %parallel_loop3A_255 : i32
        %parallel_loop3A_257 = arith.constant 0 : i32
        %parallel_loop3A_258 = arith.cmpi slt, %parallel_loop3A_251, %parallel_loop3A_257 : i32
        %parallel_loop3A_259 = arith.xori %parallel_loop3A_256, %parallel_loop3A_258 : i1
        %parallel_loop3A_260 = arith.andi %parallel_loop3A_259, %parallel_loop3A_254 : i1
        %parallel_loop3A_261 = arith.addi %parallel_loop3A_252, %parallel_loop3A_251 : i32
        %parallel_loop3A_262 = arith.select %parallel_loop3A_260, %parallel_loop3A_261, %parallel_loop3A_252 : i32
        %parallel_loop3A_263 = arith.constant 16 : i32
        %parallel_loop3A_264 = arith.muli %parallel_loop3A_262, %parallel_loop3A_263 : i32
        %parallel_loop3A_265 = arith.addi %parallel_loop3A_246, %parallel_loop3A_264 : i32
        %parallel_loop3A_266 = arith.index_cast %parallel_loop3A_265 : i32 to index
        %parallel_loop3A_267 = tpu.vector_load %arg14[%parallel_loop3A_266] {strides = array<i32>} : memref<6144xi32, #tpu.memory_space<vmem>>, vector<16xi32>,
        tpu.vector_store %arg14[%parallel_loop3A_266], %parallel_loop3A_220 {strides = array<i32>} : memref<6144xi32, #tpu.memory_space<vmem>>, vector<16xi32>,
        %parallel_loop3A_268 = arith.constant 1048576 : i32
        %parallel_loop3A_269 = vector.broadcast %parallel_loop3A_268 : i32 to vector<16xi32>
        %parallel_loop3A_270 = arith.addi %parallel_loop3A_220, %parallel_loop3A_269 : vector<16xi32>
        %parallel_loop3A_271 = arith.constant 128 : i32
        %parallel_loop3A_272 = arith.addi %parallel_loop3A_265, %parallel_loop3A_271 : i32
        %parallel_loop3A_273 = arith.index_cast %parallel_loop3A_272 : i32 to index
        %parallel_loop3A_274 = tpu.vector_load %arg14[%parallel_loop3A_273] {strides = array<i32>} : memref<6144xi32, #tpu.memory_space<vmem>>, vector<16xi32>,
        tpu.vector_store %arg14[%parallel_loop3A_273], %parallel_loop3A_270 {strides = array<i32>} : memref<6144xi32, #tpu.memory_space<vmem>>, vector<16xi32>,
        %parallel_loop3A_275 = arith.constant 2097152 : i32
        %parallel_loop3A_276 = vector.broadcast %parallel_loop3A_275 : i32 to vector<16xi32>
        %parallel_loop3A_277 = arith.addi %parallel_loop3A_220, %parallel_loop3A_276 : vector<16xi32>
        %parallel_loop3A_278 = arith.constant 256 : i32
        %parallel_loop3A_279 = arith.addi %parallel_loop3A_265, %parallel_loop3A_278 : i32
        %parallel_loop3A_280 = arith.index_cast %parallel_loop3A_279 : i32 to index
        %parallel_loop3A_281 = tpu.vector_load %arg14[%parallel_loop3A_280] {strides = array<i32>} : memref<6144xi32, #tpu.memory_space<vmem>>, vector<16xi32>,
        tpu.vector_store %arg14[%parallel_loop3A_280], %parallel_loop3A_277 {strides = array<i32>} : memref<6144xi32, #tpu.memory_space<vmem>>, vector<16xi32>,
      } {sc.loop_unroll_factor = 4 : i64, sc.parallel_access}
      %ge3A = arith.constant 1 : i32
      %ge3A_70 = arith.cmpi sge, %mul3A_50, %ge3A : i32
      %convert_element_type3A_71 = arith.extui %ge3A_70 : i1 to i32
      %cond3A_72 = arith.constant 0 : i32
      %cond3A_73 = arith.cmpi ne, %convert_element_type3A_71, %cond3A_72 : i32
      scf.if %cond3A_73 {
        %dma_wait3A_141 = arith.constant 0 : i32
        %dma_wait3A_142 = tpu.memref_slice %arg6[%dma_wait3A_141] : memref<8388608xf32, #tpu.memory_space<hbm>> -> memref<8192xf32, #tpu.memory_space<hbm>>
        %dma_wait3A_143 = arith.constant 0 : i32
        %dma_wait3A_144 = tpu.memref_slice %arg6[%dma_wait3A_143] : memref<8388608xf32, #tpu.memory_space<hbm>> -> memref<8192xf32, #tpu.memory_space<hbm>>
        tpu.wait_dma2 semaphore(%arg21 : memref<!tpu.dma_semaphore, #tpu.memory_space<semaphore_mem>>) src(%arg16 : memref<8192xf32, #tpu.memory_space<vmem>>) dst(%dma_wait3A_144 : memref<8192xf32, #tpu.memory_space<hbm>>)
      } else {
      }
      %scan3A_74 = arith.constant 0 : i32
      %scan3A_75 = arith.constant 0 : i32
      %scan3A_76 = arith.constant 16 : i32
      %scan3A_77 = arith.addi %scan3A_75, %scan3A_76 : i32
      %scan3A_78 = arith.constant 1 : i32
      scf.for %scan3A_141 = %scan3A_75 to %scan3A_77 step %scan3A_78  : i32 {
        %mul3A_142 = arith.constant 384 : i32
        %mul3A_143 = arith.muli %scan3A_141, %mul3A_142 : i32
        %add3A_144 = arith.constant 0 : i32
        %add3A_145 = arith.addi %mul3A_143, %add3A_144 : i32
        %mul3A_146 = arith.constant 512 : i32
        %mul3A_147 = arith.muli %scan3A_141, %mul3A_146 : i32
        %add3A_148 = arith.constant 0 : i32
        %add3A_149 = arith.addi %mul3A_147, %add3A_148 : i32
        %dma_start3A_150 = tpu.memref_slice %arg16[%add3A_149] : memref<8192xf32, #tpu.memory_space<vmem>> -> memref<128xf32, #tpu.memory_space<vmem>>
        %dma_start3A_151 = tpu.memref_slice %arg14[%add3A_145] : memref<6144xi32, #tpu.memory_space<vmem>> -> memref<128xi32, #tpu.memory_space<vmem>>
        %dma_start3A_152 = arith.constant 0 : i32
        %dma_start3A_153 = tpu.memref_slice %arg5[%dma_start3A_152] : memref<314572800xf32, #tpu.memory_space<hbm>> -> memref<314572800xf32, #tpu.memory_space<hbm>>
        tpu.enqueue_indirect_dma source(%dma_start3A_153 : memref<314572800xf32, #tpu.memory_space<hbm>>) target(%dma_start3A_150 : memref<128xf32, #tpu.memory_space<vmem>>) offsets(%dma_start3A_151 : memref<128xi32, #tpu.memory_space<vmem>>) semaphore(%arg18 : memref<!tpu.dma_semaphore, #tpu.memory_space<semaphore_mem>>)
        %mul3A_154 = arith.constant 384 : i32
        %mul3A_155 = arith.muli %scan3A_141, %mul3A_154 : i32
        %add3A_156 = arith.constant 128 : i32
        %add3A_157 = arith.addi %mul3A_155, %add3A_156 : i32
        %mul3A_158 = arith.constant 512 : i32
        %mul3A_159 = arith.muli %scan3A_141, %mul3A_158 : i32
        %add3A_160 = arith.constant 128 : i32
        %add3A_161 = arith.addi %mul3A_159, %add3A_160 : i32
        %dma_start3A_162 = tpu.memref_slice %arg16[%add3A_161] : memref<8192xf32, #tpu.memory_space<vmem>> -> memref<128xf32, #tpu.memory_space<vmem>>
        %dma_start3A_163 = tpu.memref_slice %arg14[%add3A_157] : memref<6144xi32, #tpu.memory_space<vmem>> -> memref<128xi32, #tpu.memory_space<vmem>>
        %dma_start3A_164 = arith.constant 0 : i32
        %dma_start3A_165 = tpu.memref_slice %arg5[%dma_start3A_164] : memref<314572800xf32, #tpu.memory_space<hbm>> -> memref<314572800xf32, #tpu.memory_space<hbm>>
        tpu.enqueue_indirect_dma source(%dma_start3A_165 : memref<314572800xf32, #tpu.memory_space<hbm>>) target(%dma_start3A_162 : memref<128xf32, #tpu.memory_space<vmem>>) offsets(%dma_start3A_163 : memref<128xi32, #tpu.memory_space<vmem>>) semaphore(%arg18 : memref<!tpu.dma_semaphore, #tpu.memory_space<semaphore_mem>>)
        %mul3A_166 = arith.constant 384 : i32
        %mul3A_167 = arith.muli %scan3A_141, %mul3A_166 : i32
        %add3A_168 = arith.constant 256 : i32
        %add3A_169 = arith.addi %mul3A_167, %add3A_168 : i32
        %mul3A_170 = arith.constant 512 : i32
        %mul3A_171 = arith.muli %scan3A_141, %mul3A_170 : i32
        %add3A_172 = arith.constant 256 : i32
        %add3A_173 = arith.addi %mul3A_171, %add3A_172 : i32
        %dma_start3A_174 = tpu.memref_slice %arg16[%add3A_173] : memref<8192xf32, #tpu.memory_space<vmem>> -> memref<128xf32, #tpu.memory_space<vmem>>
        %dma_start3A_175 = tpu.memref_slice %arg14[%add3A_169] : memref<6144xi32, #tpu.memory_space<vmem>> -> memref<128xi32, #tpu.memory_space<vmem>>
        %dma_start3A_176 = arith.constant 0 : i32
        %dma_start3A_177 = tpu.memref_slice %arg5[%dma_start3A_176] : memref<314572800xf32, #tpu.memory_space<hbm>> -> memref<314572800xf32, #tpu.memory_space<hbm>>
        tpu.enqueue_indirect_dma source(%dma_start3A_177 : memref<314572800xf32, #tpu.memory_space<hbm>>) target(%dma_start3A_174 : memref<128xf32, #tpu.memory_space<vmem>>) offsets(%dma_start3A_175 : memref<128xi32, #tpu.memory_space<vmem>>) semaphore(%arg18 : memref<!tpu.dma_semaphore, #tpu.memory_space<semaphore_mem>>)
      }
      %scan3A_79 = arith.constant 16 : i32
      %dma_wait3A_80 = arith.constant 0 : i32
      %dma_wait3A_81 = tpu.memref_slice %arg15[%dma_wait3A_80] : memref<8192xf32, #tpu.memory_space<vmem>> -> memref<6144xf32, #tpu.memory_space<vmem>>
      %dma_wait3A_82 = arith.constant 0 : i32
      %dma_wait3A_83 = tpu.memref_slice %arg5[%dma_wait3A_82] : memref<314572800xf32, #tpu.memory_space<hbm>> -> memref<6144xf32, #tpu.memory_space<hbm>>
      %dma_wait3A_84 = arith.constant 0 : i32
      %dma_wait3A_85 = tpu.memref_slice %arg15[%dma_wait3A_84] : memref<8192xf32, #tpu.memory_space<vmem>> -> memref<6144xf32, #tpu.memory_space<vmem>>
      %dma_wait3A_86 = arith.constant 0 : i32
      %dma_wait3A_87 = tpu.memref_slice %arg5[%dma_wait3A_86] : memref<314572800xf32, #tpu.memory_space<hbm>> -> memref<6144xf32, #tpu.memory_space<hbm>>
      tpu.wait_dma2 semaphore(%arg17 : memref<!tpu.dma_semaphore, #tpu.memory_space<semaphore_mem>>) src(%dma_wait3A_87 : memref<6144xf32, #tpu.memory_space<hbm>>) dst(%dma_wait3A_85 : memref<6144xf32, #tpu.memory_space<vmem>>)
      %mul3A_88 = arith.constant 65536 : i32
      %mul3A_89 = arith.muli %add3A, %mul3A_88 : i32
      %mul3A_90 = arith.constant 2048 : i32
      %mul3A_91 = arith.muli %mul3A_50, %mul3A_90 : i32
      %add3A_92 = arith.addi %mul3A_89, %mul3A_91 : i32
      %mul3A_93 = arith.constant 4 : i32
      %mul3A_94 = arith.muli %mul3A_93, %add3A_92 : i32
      %dma_start3A_95 = tpu.memref_slice %arg6[%mul3A_94] : memref<8388608xf32, #tpu.memory_space<hbm>> -> memref<8192xf32, #tpu.memory_space<hbm>>
      %dma_start3A_96 = tpu.memref_slice %arg6[%mul3A_94] : memref<8388608xf32, #tpu.memory_space<hbm>> -> memref<8192xf32, #tpu.memory_space<hbm>>
      tpu.enqueue_dma source(%arg15 : memref<8192xf32, #tpu.memory_space<vmem>>) target(%dma_start3A_96 : memref<8192xf32, #tpu.memory_space<hbm>>) target_semaphore(%arg21 : memref<!tpu.dma_semaphore, #tpu.memory_space<semaphore_mem>>)
      %add3A_97 = arith.constant 3 : i32
      %add3A_98 = arith.addi %mul3A_50, %add3A_97 : i32
      %lt3A_99 = arith.constant 32 : i32
      %lt3A_100 = arith.cmpi slt, %add3A_98, %lt3A_99 : i32
      %convert_element_type3A_101 = arith.extui %lt3A_100 : i1 to i32
      %cond3A_102 = arith.constant 0 : i32
      %cond3A_103 = arith.cmpi ne, %convert_element_type3A_101, %cond3A_102 : i32
      scf.if %cond3A_103 {
        %add3A_141 = arith.constant 3 : i32
        %add3A_142 = arith.addi %mul3A_50, %add3A_141 : i32
        %mul3A_143 = arith.constant 65536 : i32
        %mul3A_144 = arith.muli %add3A, %mul3A_143 : i32
        %mul3A_145 = arith.constant 2048 : i32
        %mul3A_146 = arith.muli %add3A_142, %mul3A_145 : i32
        %add3A_147 = arith.addi %mul3A_144, %mul3A_146 : i32
        %dma_start3A_148 = tpu.memref_slice %arg2[%add3A_147] : memref<2097152xf32, #tpu.memory_space<hbm>> -> memref<2048xf32, #tpu.memory_space<hbm>>
        %dma_start3A_149 = tpu.memref_slice %arg2[%add3A_147] : memref<2097152xf32, #tpu.memory_space<hbm>> -> memref<2048xf32, #tpu.memory_space<hbm>>
        tpu.enqueue_dma source(%dma_start3A_149 : memref<2048xf32, #tpu.memory_space<hbm>>) target(%arg10 : memref<2048xf32, #tpu.memory_space<vmem>>) target_semaphore(%arg20 : memref<!tpu.dma_semaphore, #tpu.memory_space<semaphore_mem>>)
        %dma_start3A_150 = tpu.memref_slice %arg3[%add3A_147] : memref<2097152xf32, #tpu.memory_space<hbm>> -> memref<2048xf32, #tpu.memory_space<hbm>>
        %dma_start3A_151 = tpu.memref_slice %arg3[%add3A_147] : memref<2097152xf32, #tpu.memory_space<hbm>> -> memref<2048xf32, #tpu.memory_space<hbm>>
        tpu.enqueue_dma source(%dma_start3A_151 : memref<2048xf32, #tpu.memory_space<hbm>>) target(%arg11 : memref<2048xf32, #tpu.memory_space<vmem>>) target_semaphore(%arg20 : memref<!tpu.dma_semaphore, #tpu.memory_space<semaphore_mem>>)
        %dma_start3A_152 = tpu.memref_slice %arg4[%add3A_147] : memref<2097152xf32, #tpu.memory_space<hbm>> -> memref<2048xf32, #tpu.memory_space<hbm>>
        %dma_start3A_153 = tpu.memref_slice %arg4[%add3A_147] : memref<2097152xf32, #tpu.memory_space<hbm>> -> memref<2048xf32, #tpu.memory_space<hbm>>
        tpu.enqueue_dma source(%dma_start3A_153 : memref<2048xf32, #tpu.memory_space<hbm>>) target(%arg12 : memref<2048xf32, #tpu.memory_space<vmem>>) target_semaphore(%arg20 : memref<!tpu.dma_semaphore, #tpu.memory_space<semaphore_mem>>)
      } else {
      }
      %add3A_104 = arith.constant 2 : i32
      %add3A_105 = arith.addi %mul3A_50, %add3A_104 : i32
      %lt3A_106 = arith.constant 32 : i32
      %lt3A_107 = arith.cmpi slt, %add3A_105, %lt3A_106 : i32
      %convert_element_type3A_108 = arith.extui %lt3A_107 : i1 to i32
      %cond3A_109 = arith.constant 0 : i32
      %cond3A_110 = arith.cmpi ne, %convert_element_type3A_108, %cond3A_109 : i32
      scf.if %cond3A_110 {
        %dma_wait3A_141 = arith.constant 0 : i32
        %dma_wait3A_142 = tpu.memref_slice %arg2[%dma_wait3A_141] : memref<2097152xf32, #tpu.memory_space<hbm>> -> memref<2048xf32, #tpu.memory_space<hbm>>
        %dma_wait3A_143 = arith.constant 0 : i32
        %dma_wait3A_144 = tpu.memref_slice %arg2[%dma_wait3A_143] : memref<2097152xf32, #tpu.memory_space<hbm>> -> memref<2048xf32, #tpu.memory_space<hbm>>
        tpu.wait_dma2 semaphore(%arg19 : memref<!tpu.dma_semaphore, #tpu.memory_space<semaphore_mem>>) src(%dma_wait3A_144 : memref<2048xf32, #tpu.memory_space<hbm>>) dst(%arg7 : memref<2048xf32, #tpu.memory_space<vmem>>)
        %dma_wait3A_145 = arith.constant 0 : i32
        %dma_wait3A_146 = tpu.memref_slice %arg2[%dma_wait3A_145] : memref<2097152xf32, #tpu.memory_space<hbm>> -> memref<2048xf32, #tpu.memory_space<hbm>>
        %dma_wait3A_147 = arith.constant 0 : i32
        %dma_wait3A_148 = tpu.memref_slice %arg2[%dma_wait3A_147] : memref<2097152xf32, #tpu.memory_space<hbm>> -> memref<2048xf32, #tpu.memory_space<hbm>>
        tpu.wait_dma2 semaphore(%arg19 : memref<!tpu.dma_semaphore, #tpu.memory_space<semaphore_mem>>) src(%dma_wait3A_148 : memref<2048xf32, #tpu.memory_space<hbm>>) dst(%arg8 : memref<2048xf32, #tpu.memory_space<vmem>>)
        %dma_wait3A_149 = arith.constant 0 : i32
        %dma_wait3A_150 = tpu.memref_slice %arg2[%dma_wait3A_149] : memref<2097152xf32, #tpu.memory_space<hbm>> -> memref<2048xf32, #tpu.memory_space<hbm>>
        %dma_wait3A_151 = arith.constant 0 : i32
        %dma_wait3A_152 = tpu.memref_slice %arg2[%dma_wait3A_151] : memref<2097152xf32, #tpu.memory_space<hbm>> -> memref<2048xf32, #tpu.memory_space<hbm>>
        tpu.wait_dma2 semaphore(%arg19 : memref<!tpu.dma_semaphore, #tpu.memory_space<semaphore_mem>>) src(%dma_wait3A_152 : memref<2048xf32, #tpu.memory_space<hbm>>) dst(%arg9 : memref<2048xf32, #tpu.memory_space<vmem>>)
        %parallel_loop3A_153 = arith.constant 0 : i32
        %parallel_loop3A_154 = arith.constant 128 : i32
        %parallel_loop3A_155 = arith.constant 1 : i32
        scf.for %parallel_loop3A_156 = %parallel_loop3A_153 to %parallel_loop3A_154 step %parallel_loop3A_155  : i32 {
          %parallel_loop3A_157 = arith.constant 16 : i32
          %parallel_loop3A_158 = arith.muli %parallel_loop3A_156, %parallel_loop3A_157 : i32
          %parallel_loop3A_159 = arith.index_cast %parallel_loop3A_158 : i32 to index
          %parallel_loop3A_160 = tpu.vector_load %arg7[%parallel_loop3A_159] {strides = array<i32>} : memref<2048xf32, #tpu.memory_space<vmem>>, vector<16xf32>,
          %parallel_loop3A_161 = arith.constant 16 : i32
          %parallel_loop3A_162 = arith.muli %parallel_loop3A_156, %parallel_loop3A_161 : i32
          %parallel_loop3A_163 = arith.index_cast %parallel_loop3A_162 : i32 to index
          %parallel_loop3A_164 = tpu.vector_load %arg8[%parallel_loop3A_163] {strides = array<i32>} : memref<2048xf32, #tpu.memory_space<vmem>>, vector<16xf32>,
          %parallel_loop3A_165 = arith.constant 16 : i32
          %parallel_loop3A_166 = arith.muli %parallel_loop3A_156, %parallel_loop3A_165 : i32
          %parallel_loop3A_167 = arith.index_cast %parallel_loop3A_166 : i32 to index
          %parallel_loop3A_168 = tpu.vector_load %arg9[%parallel_loop3A_167] {strides = array<i32>} : memref<2048xf32, #tpu.memory_space<vmem>>, vector<16xf32>,
          %parallel_loop3A_169 = arith.constant 1.000000e+02 : f32
          %parallel_loop3A_170 = vector.broadcast %parallel_loop3A_169 : f32 to vector<16xf32>
          %parallel_loop3A_171 = arith.mulf %parallel_loop3A_160, %parallel_loop3A_170 : vector<16xf32>
          %parallel_loop3A_172 = arith.constant 0x4B000000 : f32
          %parallel_loop3A_173 = vector.broadcast %parallel_loop3A_172 : f32 to vector<16xf32>
          %parallel_loop3A_174 = arith.addf %parallel_loop3A_171, %parallel_loop3A_173 : vector<16xf32>
          %parallel_loop3A_175 = tpu.bitcast %parallel_loop3A_174 : vector<16xf32> -> vector<16xi32>
          %parallel_loop3A_176 = arith.constant 1258291200 : i32
          %parallel_loop3A_177 = vector.broadcast %parallel_loop3A_176 : i32 to vector<16xi32>
          %parallel_loop3A_178 = arith.subi %parallel_loop3A_175, %parallel_loop3A_177 : vector<16xi32>
          %parallel_loop3A_179 = arith.constant 99 : i32
          %parallel_loop3A_180 = vector.broadcast %parallel_loop3A_179 : i32 to vector<16xi32>
          %parallel_loop3A_181 = arith.minsi %parallel_loop3A_178, %parallel_loop3A_180 : vector<16xi32>
          %parallel_loop3A_182 = arith.constant 1.024000e+03 : f32
          %parallel_loop3A_183 = vector.broadcast %parallel_loop3A_182 : f32 to vector<16xf32>
          %parallel_loop3A_184 = arith.mulf %parallel_loop3A_164, %parallel_loop3A_183 : vector<16xf32>
          %parallel_loop3A_185 = arith.constant 0x4B000000 : f32
          %parallel_loop3A_186 = vector.broadcast %parallel_loop3A_185 : f32 to vector<16xf32>
          %parallel_loop3A_187 = arith.addf %parallel_loop3A_184, %parallel_loop3A_186 : vector<16xf32>
          %parallel_loop3A_188 = tpu.bitcast %parallel_loop3A_187 : vector<16xf32> -> vector<16xi32>
          %parallel_loop3A_189 = arith.constant 1258291200 : i32
          %parallel_loop3A_190 = vector.broadcast %parallel_loop3A_189 : i32 to vector<16xi32>
          %parallel_loop3A_191 = arith.subi %parallel_loop3A_188, %parallel_loop3A_190 : vector<16xi32>
          %parallel_loop3A_192 = arith.constant 1023 : i32
          %parallel_loop3A_193 = vector.broadcast %parallel_loop3A_192 : i32 to vector<16xi32>
          %parallel_loop3A_194 = arith.minsi %parallel_loop3A_191, %parallel_loop3A_193 : vector<16xi32>
          %parallel_loop3A_195 = arith.constant 1.024000e+03 : f32
          %parallel_loop3A_196 = vector.broadcast %parallel_loop3A_195 : f32 to vector<16xf32>
          %parallel_loop3A_197 = arith.mulf %parallel_loop3A_168, %parallel_loop3A_196 : vector<16xf32>
          %parallel_loop3A_198 = arith.constant 0x4B000000 : f32
          %parallel_loop3A_199 = vector.broadcast %parallel_loop3A_198 : f32 to vector<16xf32>
          %parallel_loop3A_200 = arith.addf %parallel_loop3A_197, %parallel_loop3A_199 : vector<16xf32>
          %parallel_loop3A_201 = tpu.bitcast %parallel_loop3A_200 : vector<16xf32> -> vector<16xi32>
          %parallel_loop3A_202 = arith.constant 1258291200 : i32
          %parallel_loop3A_203 = vector.broadcast %parallel_loop3A_202 : i32 to vector<16xi32>
          %parallel_loop3A_204 = arith.subi %parallel_loop3A_201, %parallel_loop3A_203 : vector<16xi32>
          %parallel_loop3A_205 = arith.constant 1023 : i32
          %parallel_loop3A_206 = vector.broadcast %parallel_loop3A_205 : i32 to vector<16xi32>
          %parallel_loop3A_207 = arith.minsi %parallel_loop3A_204, %parallel_loop3A_206 : vector<16xi32>
          %parallel_loop3A_208 = arith.constant 3072 : i32
          %parallel_loop3A_209 = vector.broadcast %parallel_loop3A_208 : i32 to vector<16xi32>
          %parallel_loop3A_210 = arith.muli %parallel_loop3A_181, %parallel_loop3A_209 : vector<16xi32>
          %parallel_loop3A_211 = arith.addi %parallel_loop3A_210, %parallel_loop3A_194 : vector<16xi32>
          %parallel_loop3A_212 = arith.constant 3 : i32
          %parallel_loop3A_213 = vector.broadcast %parallel_loop3A_212 : i32 to vector<16xi32>
          %parallel_loop3A_214 = arith.shrsi %parallel_loop3A_211, %parallel_loop3A_213 : vector<16xi32>
          %parallel_loop3A_215 = arith.constant 13 : i32
          %parallel_loop3A_216 = vector.broadcast %parallel_loop3A_215 : i32 to vector<16xi32>
          %parallel_loop3A_217 = arith.shli %parallel_loop3A_214, %parallel_loop3A_216 : vector<16xi32>
          %parallel_loop3A_218 = arith.constant 7 : i32
          %parallel_loop3A_219 = vector.broadcast %parallel_loop3A_218 : i32 to vector<16xi32>
          %parallel_loop3A_220 = arith.shrsi %parallel_loop3A_207, %parallel_loop3A_219 : vector<16xi32>
          %parallel_loop3A_221 = arith.constant 10 : i32
          %parallel_loop3A_222 = vector.broadcast %parallel_loop3A_221 : i32 to vector<16xi32>
          %parallel_loop3A_223 = arith.shli %parallel_loop3A_220, %parallel_loop3A_222 : vector<16xi32>
          %parallel_loop3A_224 = arith.ori %parallel_loop3A_217, %parallel_loop3A_223 : vector<16xi32>
          %parallel_loop3A_225 = arith.constant 7 : i32
          %parallel_loop3A_226 = vector.broadcast %parallel_loop3A_225 : i32 to vector<16xi32>
          %parallel_loop3A_227 = arith.andi %parallel_loop3A_211, %parallel_loop3A_226 : vector<16xi32>
          %parallel_loop3A_228 = arith.constant 7 : i32
          %parallel_loop3A_229 = vector.broadcast %parallel_loop3A_228 : i32 to vector<16xi32>
          %parallel_loop3A_230 = arith.shli %parallel_loop3A_227, %parallel_loop3A_229 : vector<16xi32>
          %parallel_loop3A_231 = arith.ori %parallel_loop3A_224, %parallel_loop3A_230 : vector<16xi32>
          %parallel_loop3A_232 = arith.constant 127 : i32
          %parallel_loop3A_233 = vector.broadcast %parallel_loop3A_232 : i32 to vector<16xi32>
          %parallel_loop3A_234 = arith.andi %parallel_loop3A_207, %parallel_loop3A_233 : vector<16xi32>
          %parallel_loop3A_235 = arith.ori %parallel_loop3A_231, %parallel_loop3A_234 : vector<16xi32>
          %parallel_loop3A_236 = arith.constant 8 : i32
          %parallel_loop3A_237 = arith.divsi %parallel_loop3A_156, %parallel_loop3A_236 : i32
          %parallel_loop3A_238 = arith.constant 0 : i32
          %parallel_loop3A_239 = arith.cmpi sgt, %parallel_loop3A_156, %parallel_loop3A_238 : i32
          %parallel_loop3A_240 = arith.extui %parallel_loop3A_239 : i1 to i32
          %parallel_loop3A_241 = arith.constant 0 : i32
          %parallel_loop3A_242 = arith.cmpi slt, %parallel_loop3A_156, %parallel_loop3A_241 : i32
          %parallel_loop3A_243 = arith.extui %parallel_loop3A_242 : i1 to i32
          %parallel_loop3A_244 = arith.subi %parallel_loop3A_240, %parallel_loop3A_243 : i32
          %parallel_loop3A_245 = arith.constant 0 : i32
          %parallel_loop3A_246 = arith.cmpi sgt, %parallel_loop3A_236, %parallel_loop3A_245 : i32
          %parallel_loop3A_247 = arith.extui %parallel_loop3A_246 : i1 to i32
          %parallel_loop3A_248 = arith.constant 0 : i32
          %parallel_loop3A_249 = arith.cmpi slt, %parallel_loop3A_236, %parallel_loop3A_248 : i32
          %parallel_loop3A_250 = arith.extui %parallel_loop3A_249 : i1 to i32
          %parallel_loop3A_251 = arith.subi %parallel_loop3A_247, %parallel_loop3A_250 : i32
          %parallel_loop3A_252 = arith.cmpi ne, %parallel_loop3A_244, %parallel_loop3A_251 : i32
          %parallel_loop3A_253 = arith.remsi %parallel_loop3A_156, %parallel_loop3A_236 : i32
          %parallel_loop3A_254 = arith.constant 0 : i32
          %parallel_loop3A_255 = arith.cmpi ne, %parallel_loop3A_253, %parallel_loop3A_254 : i32
          %parallel_loop3A_256 = arith.andi %parallel_loop3A_252, %parallel_loop3A_255 : i1
          %parallel_loop3A_257 = arith.constant 1 : i32
          %parallel_loop3A_258 = arith.subi %parallel_loop3A_237, %parallel_loop3A_257 : i32
          %parallel_loop3A_259 = arith.select %parallel_loop3A_256, %parallel_loop3A_258, %parallel_loop3A_237 : i32
          %parallel_loop3A_260 = arith.constant 384 : i32
          %parallel_loop3A_261 = arith.muli %parallel_loop3A_259, %parallel_loop3A_260 : i32
          %parallel_loop3A_262 = arith.constant 8 : i32
          %parallel_loop3A_263 = arith.constant 0 : i32
          %parallel_loop3A_264 = arith.cmpi eq, %parallel_loop3A_262, %parallel_loop3A_263 : i32
          %parallel_loop3A_265 = arith.constant 1 : i32
          %parallel_loop3A_266 = arith.select %parallel_loop3A_264, %parallel_loop3A_265, %parallel_loop3A_262 : i32
          %parallel_loop3A_267 = arith.remsi %parallel_loop3A_156, %parallel_loop3A_266 : i32
          %parallel_loop3A_268 = arith.constant 0 : i32
          %parallel_loop3A_269 = arith.cmpi ne, %parallel_loop3A_267, %parallel_loop3A_268 : i32
          %parallel_loop3A_270 = arith.constant 0 : i32
          %parallel_loop3A_271 = arith.cmpi slt, %parallel_loop3A_267, %parallel_loop3A_270 : i32
          %parallel_loop3A_272 = arith.constant 0 : i32
          %parallel_loop3A_273 = arith.cmpi slt, %parallel_loop3A_266, %parallel_loop3A_272 : i32
          %parallel_loop3A_274 = arith.xori %parallel_loop3A_271, %parallel_loop3A_273 : i1
          %parallel_loop3A_275 = arith.andi %parallel_loop3A_274, %parallel_loop3A_269 : i1
          %parallel_loop3A_276 = arith.addi %parallel_loop3A_267, %parallel_loop3A_266 : i32
          %parallel_loop3A_277 = arith.select %parallel_loop3A_275, %parallel_loop3A_276, %parallel_loop3A_267 : i32
          %parallel_loop3A_278 = arith.constant 16 : i32
          %parallel_loop3A_279 = arith.muli %parallel_loop3A_277, %parallel_loop3A_278 : i32
          %parallel_loop3A_280 = arith.addi %parallel_loop3A_261, %parallel_loop3A_279 : i32
          %parallel_loop3A_281 = arith.index_cast %parallel_loop3A_280 : i32 to index
          %parallel_loop3A_282 = tpu.vector_load %arg13[%parallel_loop3A_281] {strides = array<i32>} : memref<6144xi32, #tpu.memory_space<vmem>>, vector<16xi32>,
          tpu.vector_store %arg13[%parallel_loop3A_281], %parallel_loop3A_235 {strides = array<i32>} : memref<6144xi32, #tpu.memory_space<vmem>>, vector<16xi32>,
          %parallel_loop3A_283 = arith.constant 1048576 : i32
          %parallel_loop3A_284 = vector.broadcast %parallel_loop3A_283 : i32 to vector<16xi32>
          %parallel_loop3A_285 = arith.addi %parallel_loop3A_235, %parallel_loop3A_284 : vector<16xi32>
          %parallel_loop3A_286 = arith.constant 128 : i32
          %parallel_loop3A_287 = arith.addi %parallel_loop3A_280, %parallel_loop3A_286 : i32
          %parallel_loop3A_288 = arith.index_cast %parallel_loop3A_287 : i32 to index
          %parallel_loop3A_289 = tpu.vector_load %arg13[%parallel_loop3A_288] {strides = array<i32>} : memref<6144xi32, #tpu.memory_space<vmem>>, vector<16xi32>,
          tpu.vector_store %arg13[%parallel_loop3A_288], %parallel_loop3A_285 {strides = array<i32>} : memref<6144xi32, #tpu.memory_space<vmem>>, vector<16xi32>,
          %parallel_loop3A_290 = arith.constant 2097152 : i32
          %parallel_loop3A_291 = vector.broadcast %parallel_loop3A_290 : i32 to vector<16xi32>
          %parallel_loop3A_292 = arith.addi %parallel_loop3A_235, %parallel_loop3A_291 : vector<16xi32>
          %parallel_loop3A_293 = arith.constant 256 : i32
          %parallel_loop3A_294 = arith.addi %parallel_loop3A_280, %parallel_loop3A_293 : i32
          %parallel_loop3A_295 = arith.index_cast %parallel_loop3A_294 : i32 to index
          %parallel_loop3A_296 = tpu.vector_load %arg13[%parallel_loop3A_295] {strides = array<i32>} : memref<6144xi32, #tpu.memory_space<vmem>>, vector<16xi32>,
          tpu.vector_store %arg13[%parallel_loop3A_295], %parallel_loop3A_292 {strides = array<i32>} : memref<6144xi32, #tpu.memory_space<vmem>>, vector<16xi32>,
        } {sc.loop_unroll_factor = 4 : i64, sc.parallel_access}
      } else {
      }
      %dma_wait3A_111 = arith.constant 0 : i32
      %dma_wait3A_112 = tpu.memref_slice %arg6[%dma_wait3A_111] : memref<8388608xf32, #tpu.memory_space<hbm>> -> memref<8192xf32, #tpu.memory_space<hbm>>
      %dma_wait3A_113 = arith.constant 0 : i32
      %dma_wait3A_114 = tpu.memref_slice %arg6[%dma_wait3A_113] : memref<8388608xf32, #tpu.memory_space<hbm>> -> memref<8192xf32, #tpu.memory_space<hbm>>
      tpu.wait_dma2 semaphore(%arg21 : memref<!tpu.dma_semaphore, #tpu.memory_space<semaphore_mem>>) src(%arg15 : memref<8192xf32, #tpu.memory_space<vmem>>) dst(%dma_wait3A_114 : memref<8192xf32, #tpu.memory_space<hbm>>)
      %add3A_115 = arith.constant 2 : i32
      %add3A_116 = arith.addi %mul3A_50, %add3A_115 : i32
      %lt3A_117 = arith.constant 32 : i32
      %lt3A_118 = arith.cmpi slt, %add3A_116, %lt3A_117 : i32
      %convert_element_type3A_119 = arith.extui %lt3A_118 : i1 to i32
      %cond3A_120 = arith.constant 0 : i32
      %cond3A_121 = arith.cmpi ne, %convert_element_type3A_119, %cond3A_120 : i32
      scf.if %cond3A_121 {
        %scan3A_141 = arith.constant 0 : i32
        %scan3A_142 = arith.constant 0 : i32
        %scan3A_143 = arith.constant 16 : i32
        %scan3A_144 = arith.addi %scan3A_142, %scan3A_143 : i32
        %scan3A_145 = arith.constant 1 : i32
        scf.for %scan3A_147 = %scan3A_142 to %scan3A_144 step %scan3A_145  : i32 {
          %mul3A_148 = arith.constant 384 : i32
          %mul3A_149 = arith.muli %scan3A_147, %mul3A_148 : i32
          %add3A_150 = arith.constant 0 : i32
          %add3A_151 = arith.addi %mul3A_149, %add3A_150 : i32
          %mul3A_152 = arith.constant 512 : i32
          %mul3A_153 = arith.muli %scan3A_147, %mul3A_152 : i32
          %add3A_154 = arith.constant 0 : i32
          %add3A_155 = arith.addi %mul3A_153, %add3A_154 : i32
          %dma_start3A_156 = tpu.memref_slice %arg15[%add3A_155] : memref<8192xf32, #tpu.memory_space<vmem>> -> memref<128xf32, #tpu.memory_space<vmem>>
          %dma_start3A_157 = tpu.memref_slice %arg13[%add3A_151] : memref<6144xi32, #tpu.memory_space<vmem>> -> memref<128xi32, #tpu.memory_space<vmem>>
          %dma_start3A_158 = arith.constant 0 : i32
          %dma_start3A_159 = tpu.memref_slice %arg5[%dma_start3A_158] : memref<314572800xf32, #tpu.memory_space<hbm>> -> memref<314572800xf32, #tpu.memory_space<hbm>>
          tpu.enqueue_indirect_dma source(%dma_start3A_159 : memref<314572800xf32, #tpu.memory_space<hbm>>) target(%dma_start3A_156 : memref<128xf32, #tpu.memory_space<vmem>>) offsets(%dma_start3A_157 : memref<128xi32, #tpu.memory_space<vmem>>) semaphore(%arg17 : memref<!tpu.dma_semaphore, #tpu.memory_space<semaphore_mem>>)
          %mul3A_160 = arith.constant 384 : i32
          %mul3A_161 = arith.muli %scan3A_147, %mul3A_160 : i32
          %add3A_162 = arith.constant 128 : i32
          %add3A_163 = arith.addi %mul3A_161, %add3A_162 : i32
          %mul3A_164 = arith.constant 512 : i32
          %mul3A_165 = arith.muli %scan3A_147, %mul3A_164 : i32
          %add3A_166 = arith.constant 128 : i32
          %add3A_167 = arith.addi %mul3A_165, %add3A_166 : i32
          %dma_start3A_168 = tpu.memref_slice %arg15[%add3A_167] : memref<8192xf32, #tpu.memory_space<vmem>> -> memref<128xf32, #tpu.memory_space<vmem>>
          %dma_start3A_169 = tpu.memref_slice %arg13[%add3A_163] : memref<6144xi32, #tpu.memory_space<vmem>> -> memref<128xi32, #tpu.memory_space<vmem>>
          %dma_start3A_170 = arith.constant 0 : i32
          %dma_start3A_171 = tpu.memref_slice %arg5[%dma_start3A_170] : memref<314572800xf32, #tpu.memory_space<hbm>> -> memref<314572800xf32, #tpu.memory_space<hbm>>
          tpu.enqueue_indirect_dma source(%dma_start3A_171 : memref<314572800xf32, #tpu.memory_space<hbm>>) target(%dma_start3A_168 : memref<128xf32, #tpu.memory_space<vmem>>) offsets(%dma_start3A_169 : memref<128xi32, #tpu.memory_space<vmem>>) semaphore(%arg17 : memref<!tpu.dma_semaphore, #tpu.memory_space<semaphore_mem>>)
          %mul3A_172 = arith.constant 384 : i32
          %mul3A_173 = arith.muli %scan3A_147, %mul3A_172 : i32
          %add3A_174 = arith.constant 256 : i32
          %add3A_175 = arith.addi %mul3A_173, %add3A_174 : i32
          %mul3A_176 = arith.constant 512 : i32
          %mul3A_177 = arith.muli %scan3A_147, %mul3A_176 : i32
          %add3A_178 = arith.constant 256 : i32
          %add3A_179 = arith.addi %mul3A_177, %add3A_178 : i32
          %dma_start3A_180 = tpu.memref_slice %arg15[%add3A_179] : memref<8192xf32, #tpu.memory_space<vmem>> -> memref<128xf32, #tpu.memory_space<vmem>>
          %dma_start3A_181 = tpu.memref_slice %arg13[%add3A_175] : memref<6144xi32, #tpu.memory_space<vmem>> -> memref<128xi32, #tpu.memory_space<vmem>>
          %dma_start3A_182 = arith.constant 0 : i32
          %dma_start3A_183 = tpu.memref_slice %arg5[%dma_start3A_182] : memref<314572800xf32, #tpu.memory_space<hbm>> -> memref<314572800xf32, #tpu.memory_space<hbm>>
          tpu.enqueue_indirect_dma source(%dma_start3A_183 : memref<314572800xf32, #tpu.memory_space<hbm>>) target(%dma_start3A_180 : memref<128xf32, #tpu.memory_space<vmem>>) offsets(%dma_start3A_181 : memref<128xi32, #tpu.memory_space<vmem>>) semaphore(%arg17 : memref<!tpu.dma_semaphore, #tpu.memory_space<semaphore_mem>>)
        }
        %scan3A_146 = arith.constant 16 : i32
      } else {
      }
      %dma_wait3A_122 = arith.constant 0 : i32
      %dma_wait3A_123 = tpu.memref_slice %arg16[%dma_wait3A_122] : memref<8192xf32, #tpu.memory_space<vmem>> -> memref<6144xf32, #tpu.memory_space<vmem>>
      %dma_wait3A_124 = arith.constant 0 : i32
      %dma_wait3A_125 = tpu.memref_slice %arg5[%dma_wait3A_124] : memref<314572800xf32, #tpu.memory_space<hbm>> -> memref<6144xf32, #tpu.memory_space<hbm>>
      %dma_wait3A_126 = arith.constant 0 : i32
      %dma_wait3A_127 = tpu.memref_slice %arg16[%dma_wait3A_126] : memref<8192xf32, #tpu.memory_space<vmem>> -> memref<6144xf32, #tpu.memory_space<vmem>>
      %dma_wait3A_128 = arith.constant 0 : i32
      %dma_wait3A_129 = tpu.memref_slice %arg5[%dma_wait3A_128] : memref<314572800xf32, #tpu.memory_space<hbm>> -> memref<6144xf32, #tpu.memory_space<hbm>>
      tpu.wait_dma2 semaphore(%arg18 : memref<!tpu.dma_semaphore, #tpu.memory_space<semaphore_mem>>) src(%dma_wait3A_129 : memref<6144xf32, #tpu.memory_space<hbm>>) dst(%dma_wait3A_127 : memref<6144xf32, #tpu.memory_space<vmem>>)
      %add3A_130 = arith.constant 1 : i32
      %add3A_131 = arith.addi %mul3A_50, %add3A_130 : i32
      %mul3A_132 = arith.constant 65536 : i32
      %mul3A_133 = arith.muli %add3A, %mul3A_132 : i32
      %mul3A_134 = arith.constant 2048 : i32
      %mul3A_135 = arith.muli %add3A_131, %mul3A_134 : i32
      %add3A_136 = arith.addi %mul3A_133, %mul3A_135 : i32
      %mul3A_137 = arith.constant 4 : i32
      %mul3A_138 = arith.muli %mul3A_137, %add3A_136 : i32
      %dma_start3A_139 = tpu.memref_slice %arg6[%mul3A_138] : memref<8388608xf32, #tpu.memory_space<hbm>> -> memref<8192xf32, #tpu.memory_space<hbm>>
      %dma_start3A_140 = tpu.memref_slice %arg6[%mul3A_138] : memref<8388608xf32, #tpu.memory_space<hbm>> -> memref<8192xf32, #tpu.memory_space<hbm>>
      tpu.enqueue_dma source(%arg16 : memref<8192xf32, #tpu.memory_space<vmem>>) target(%dma_start3A_140 : memref<8192xf32, #tpu.memory_space<hbm>>) target_semaphore(%arg21 : memref<!tpu.dma_semaphore, #tpu.memory_space<semaphore_mem>>)
    }
    %scan3A_43 = arith.constant 16 : i32
    %dma_wait3A_44 = arith.constant 0 : i32
    %dma_wait3A_45 = tpu.memref_slice %arg6[%dma_wait3A_44] : memref<8388608xf32, #tpu.memory_space<hbm>> -> memref<8192xf32, #tpu.memory_space<hbm>>
    %dma_wait3A_46 = arith.constant 0 : i32
    %dma_wait3A_47 = tpu.memref_slice %arg6[%dma_wait3A_46] : memref<8388608xf32, #tpu.memory_space<hbm>> -> memref<8192xf32, #tpu.memory_space<hbm>>
    tpu.wait_dma2 semaphore(%arg21 : memref<!tpu.dma_semaphore, #tpu.memory_space<semaphore_mem>>) src(%arg16 : memref<8192xf32, #tpu.memory_space<vmem>>) dst(%dma_wait3A_47 : memref<8192xf32, #tpu.memory_space<hbm>>)
    return
  }
}

</mosaic_0001>

<sc_bundles>
// kernel: kernel.3.cloned.1.call-start
scs
__scs_entry_jumppad:
0x0: {  	(pc) =	sbr.rel $0x88, $3  }
0x1: {  	(tag) =	ssettag $0x0;
	lr =	simm.s32 $0x1  }
0x2: {  	[smem:$0x3F9D] =	sst lr;
	_ =	strace $0xD0000000  }
0x3: {  	_ = 	snop  }
0x4: {  	_ = 	snop  }
0x5: {  	_ = 	snop  }
0x6: {  	_ = 	snop  }
0x7: {  	_ = 	snop  }
__scs_overlays_trampoline_lowered:
0x8: {  	[smem:$0x3FAC] =	sst s0  }
0x9: {  	[smem:$0x3FAD] =	sst s1  }
0xa: {  	[smem:$0x3FAE] =	sst s2  }
0xb: {  	[smem:$0x3FAF] =	sst s3  }
0xc: {  	[smem:$0x3FB0] =	sst s4  }
0xd: {  	[smem:$0x3FB1] =	sst s5  }
0xe: {  	[smem:$0x3FB2] =	sst s6  }
0xf: {  	[smem:$0x3FB3] =	sst s7  }
0x10: {  	[smem:$0x3FB4] =	sst s8  }
0x11: {  	[smem:$0x3FB5] =	sst s9;
	s0 =	simm.s32 @!p0 $0x0  }
0x12: {  	s1 =	sld [smem:$0x3F9B];
	s0 =	simm.s32 @p0 $0x1  }
0x13: {  	[smem:$0x3FB6] =	sst s0;
	s0 =	simm.s32 @!p1 $0x0  }
0x14: {  	s2 =	sld [smem:$0x3F9A];
	s0 =	simm.s32 @p1 $0x1  }
0x15: {  	[smem:$0x3FB7] =	sst s0;
	s0 =	simm.s32 @!p2 $0x0  }
0x16: {  	s3 =	sld [smem:$0x3FDB];
	s0 =	simm.s32 @p2 $0x1  }
0x17: {  	s4 =	simm.s32 $0x1BF5;
	[smem:$0x3FB9] =	sst s0  }
0x18: {  	s0 =	sld [smem:$0x3F9C];
	_ =	swait.ge [sflag:s4], $0x0  }
0x19: {  	s7 =	sld [smem:$0x3F9D]  }
0x1a: {  	s8 =	sadd.s32 $0xFFFFE003, lr  }
0x1b: {  	s9 =	sadd.s32 $0xFFFFFEF7, lr;
	s5 =	simm.s32 $0xFFFFFFFF;
	p2 =	slt.u32 s8, $0xFFFFF086  }
0x1c: {  	p1 =	slt.u32 s9, $0xF7A;
	s5 =	simm.s32 @!p2 $0x0  }
0x1d: {  	s5 =	simm.s32 @p1 $0x1;
	p0 =	seq.s32 s7, s2  }
0x1e: {  	s7 =	smul.u32 @!p0 $0xF7A, s2;
	p2 =	seq.s32 @!p0 s5, $0x0  }
0x1f: {  	s9 =	smul.u32 $0xF7A, s1;
	s8 =	simm.s32 @!p0 $0x1BF5;
	p2 =	por !p2, p0  }
0x20: {  	[sflag:s8] =	ssyncset.s32 @!p0 $0xFFFFF086;
	s6 =	sadd.s32 @!p0 s3, s7;
	s7 =	simm.s32 @!p0 $0x108  }
0x21: {  	s3 =	sadd.s32 s3, s9;
	s6 =	sadd.s32 @!p0 $0x88, s6;
	s7 =	simm.s32 @p2 $0x1082  }
0x22: {  	[simem:s7], [sflag:s8] =	dma.local @!p0 [hbm:s6], $0xF7A  }
0x23: {  	s9 =	sor.u32 $0xD0000000, s2;
	s6 =	simm.s32 $0x108;
	_ =	swait.ge @!p0 [sflag:s8], $0x0  }
0x24: {  	s3 =	sadd.s32 $0x88, s3;
	s6 =	simm.s32 @!p1 $0x1082;
	[sflag:s4] =	ssyncset.s32 $0xFFFFF086  }
0x25: {  	[simem:s6], [sflag:s4] =	dma.local [hbm:s3], $0xF7A  }
0x26: {  	[smem:$0x3F9D] =	sst s1;
	(tag) =	ssettag s2;
	_ =	strace s9  }
0x27: {  	s1 =	sld [smem:$0x3FAD]  }
0x28: {  	s2 =	sld [smem:$0x3FAE]  }
0x29: {  	s4 =	sld [smem:$0x3FB0]  }
0x2a: {  	p0 =	seq.s32 s5, $0x0;
	s5 =	sld [smem:$0x3FB1]  }
0x2b: {  	s6 =	sld [smem:$0x3FB2]  }
0x2c: {  	s7 =	sld [smem:$0x3FB3]  }
0x2d: {  	s3 =	simm.s32 $0x108;
	s8 =	sld [smem:$0x3FB4]  }
0x2e: {  	s3 =	simm.s32 @!p0 $0x1082;
	s9 =	sld [smem:$0x3FB5]  }
0x2f: {  	lr =	sadd.s32 s0, s3;
	s0 =	sld [smem:$0x3FAC]  }
0x30: {  	s3 =	sld [smem:$0x3FAF]  }
0x31: {  	[smem:$0x3FB8] =	sst s10  }
0x32: {  	s10 =	sld [smem:$0x3FB6];
	_ =	sdelay $0x3  }
0x33: {  	p0 =	seq.s32 s10, $0x1;
	s10 =	sld [smem:$0x3FB8];
	_ =	sdelay $0x3  }
0x34: {  	[smem:$0x3FB8] =	sst s10  }
0x35: {  	s10 =	sld [smem:$0x3FB7];
	_ =	sdelay $0x3  }
0x36: {  	p1 =	seq.s32 s10, $0x1;
	s10 =	sld [smem:$0x3FB8];
	_ =	sdelay $0x3  }
0x37: {  	[smem:$0x3FB8] =	sst s10  }
0x38: {  	s10 =	sld [smem:$0x3FB9]  }
0x39: {  	_ = 	snop;
	(pc) =	sbr.ind lr, $3  }
0x3a: {  	_ = 	snop  }
0x3b: {  	_ = 	snop  }
0x3c: {  	p2 =	seq.s32 s10, $0x1;
	s10 =	sld [smem:$0x3FB8]  }
0x3d: {  	_ =	shalt  }
0x3e: {  	_ =	shalt  }
0x3f: {  	_ =	shalt  }
0x40: {  	_ =	shalt  }
0x41: {  	_ =	shalt  }
0x42: {  	_ =	shalt  }
0x43: {  	_ =	shalt  }
0x44: {  	_ =	shalt  }
0x45: {  	_ =	shalt  }
0x46: {  	_ =	shalt  }
0x47: {  	_ =	shalt  }
0x48: {  	_ =	shalt  }
0x49: {  	_ =	shalt  }
0x4a: {  	_ =	shalt  }
0x4b: {  	_ =	shalt  }
0x4c: {  	_ =	shalt  }
0x4d: {  	_ =	shalt  }
0x4e: {  	_ =	shalt  }
0x4f: {  	_ =	shalt  }
0x50: {  	_ =	shalt  }
0x51: {  	_ =	shalt  }
0x52: {  	_ =	shalt  }
0x53: {  	_ =	shalt  }
0x54: {  	_ =	shalt  }
0x55: {  	_ =	shalt  }
0x56: {  	_ =	shalt  }
0x57: {  	_ =	shalt  }
0x58: {  	_ =	shalt  }
0x59: {  	_ =	shalt  }
0x5a: {  	_ =	shalt  }
0x5b: {  	_ =	shalt  }
0x5c: {  	_ =	shalt  }
0x5d: {  	_ =	shalt  }
0x5e: {  	_ =	shalt  }
0x5f: {  	_ =	shalt  }
0x60: {  	_ =	shalt  }
0x61: {  	_ =	shalt  }
0x62: {  	_ =	shalt  }
0x63: {  	_ =	shalt  }
0x64: {  	_ =	shalt  }
0x65: {  	_ =	shalt  }
0x66: {  	_ =	shalt  }
0x67: {  	_ =	shalt  }
0x68: {  	_ =	shalt  }
0x69: {  	_ =	shalt  }
0x6a: {  	_ =	shalt  }
0x6b: {  	_ =	shalt  }
0x6c: {  	_ =	shalt  }
0x6d: {  	_ =	shalt  }
0x6e: {  	_ =	shalt  }
0x6f: {  	_ =	shalt  }
0x70: {  	_ =	shalt  }
0x71: {  	_ =	shalt  }
0x72: {  	_ =	shalt  }
0x73: {  	_ =	shalt  }
0x74: {  	_ =	shalt  }
0x75: {  	_ =	shalt  }
0x76: {  	_ =	shalt  }
0x77: {  	_ =	shalt  }
0x78: {  	_ =	shalt  }
0x79: {  	_ =	shalt  }
0x7a: {  	_ =	shalt  }
0x7b: {  	_ =	shalt  }
0x7c: {  	_ =	shalt  }
0x7d: {  	_ =	shalt  }
0x7e: {  	_ =	shalt  }
0x7f: {  	_ =	shalt  }
0x80: {  	_ =	shalt  }
0x81: {  	_ =	shalt  }
0x82: {  	_ =	shalt  }
0x83: {  	_ =	shalt  }
0x84: {  	_ =	shalt  }
0x85: {  	_ =	shalt  }
0x86: {  	_ =	shalt  }
0x87: {  	_ =	shalt  }
.Lfunc_end0:
.L_simem_size_0:
called_computation_lowered:
.L_overlay_start_0:
0x88: {  	s2 =	sld [smem:$0x3FD9]  }
0x89: {  	s3 =	sld [smem:$0x3FFE];
	_ =	sdelay $0x1  }
0x8a: {  	s1 =	srdreg.scid  }
0x8b: {  	s0 =	sand.u32 $0x1, s1  }
0x8c: {  	s18 =	sshll.u32 s0, $0xA;
	s2 =	sadd.s32 s3, s2  }
0x8d: {  	s2 =	sadd.s32 s2, s18  }
0x8e: {  	[smem:$0x3FC4] =	sst s2  }
0x8f: {  	_ = 	snop  }
0x90: {  	s2 =	sld [smem:$0x3FC9]  }
0x91: {  	s19 =	sld [smem:$0x3FC8]  }
0x92: {  	s4 =	sld [smem:$0x3FC7]  }
0x93: {  	s5 =	sld [smem:$0x3FC6]  }
0x94: {  	s6 =	sld [smem:$0x3FD0];
	(tm) =	ssettm $0x1  }
0x95: {  	s7 =	sld [smem:$0x3FFB];
	_ =	sdelay $0x3  }
0x96: {  	_ =	strace s7  }
0x97: {  	s7 =	sld [smem:$0x3FFC];
	_ =	sdelay $0x3  }
0x98: {  	_ =	strace s7  }
0x99: {  	s7 =	sld [smem:$0x3FFD];
	_ =	sdelay $0x3  }
0x9a: {  	_ =	strace s7  }
0x9b: {  	_ =	strace $0x8FFFFFFF  }
0x9c: {  	s20 =	sld [smem:$0x3FDB];
	_ =	sdelay $0x1  }
0x9d: {  	s8 =	simm.s32 $_scs_section_size  }
0x9e: {  	s9 =	simm.s32 $_size__tile_overlayer_lowered;
	s10 =	simm.s32 $_tile_overlayer_lowered  }
0x9f: {  	s23 =	simm.s32 $0x1BFF;
	s22 =	sshll.u32 s10, $0x1;
	s7 =	sadd.s32 s8, s20  }
0xa0: {  	s11 =	simm.s32 $0x0;
	s21 =	sshll.u32 s9, $0x1;
	s9 =	sadd.s32 s22, s7  }
0xa1: {  	[timem:s11], [sflag:s23] =	dma.local [hbm:s9], s21  }
0xa2: {  	_ =	swait.ge [sflag:s23], s21  }
0xa3: {  	s8 =	ssub.s32 $0x0, s21;
	[sflag:s23] =	ssyncset.done $0x0  }
0xa4: {  	[sflag:s23] =	ssyncadd.s32 s8;
	_ =	sdelay $0x1  }
0xa5: {  	s24 =	simm.s32 $0x1B8B  }
0xa6: {  	_ =	swait.ge [sflag:s24], $0x1  }
0xa7: {  	[sflag:s24] =	ssyncset.done $0x0  }
0xa8: {  	s25 =	simm.s32 $0x1B8E;
	[sflag:s24] =	ssyncadd.s32 $0xFFFFFFFF  }
0xa9: {  	s26 =	simm.s32 $execute0_lowered;
	[smem:$0x3FD2] =	sst s25  }
0xaa: {  	s8 =	sshll.u32 s26, $0x1;
	_ =	strace $0x80000046;
	[dreg:$0x1] =	wrdreg $0xFFFFFFFF  }
0xab: {  	s28 =	simm.s32 $_size_execute0_lowered;
	s7 =	sadd.s32 s7, s8;
	[dreg:$0x0] =	wrdreg $0x0  }
0xac: {  	s8 =	sshll.u32 s28, $0x1;
	[dreg:$0x2] =	wrdreg s7  }
0xad: {  	[dreg:$0x3] =	wrdreg s8  }
0xae: {  	[dreg:$0x4] =	wrdreg $0xC0  }
0xaf: {  	_ =	task [dreg:s11], $0x5FFFF  }
0xb0: {  	[dreg:$0x1] =	wrdreg $0xFFFFFFFF  }
0xb1: {  	[dreg:$0x0] =	wrdreg $0x60  }
0xb2: {  	[dreg:$0x2] =	wrdreg s2  }
0xb3: {  	[dreg:$0x3] =	wrdreg s19  }
0xb4: {  	[dreg:$0x4] =	wrdreg s4  }
0xb5: {  	[dreg:$0x5] =	wrdreg s5  }
0xb6: {  	[dreg:$0x6] =	wrdreg s6  }
0xb7: {  	[dreg:$0x7] =	wrdreg $0x9  }
0xb8: {  	_ =	task.clear_ibuf [dreg:s11], $0x8FFFF;
	_ =	strace $0x90000046  }
0xb9: {  	s29 =	simm.s32 $0x9;
	_ =	strace $0x80000048  }
0xba: {  	_ =	swait.ge [sflag:s29], $0x1  }
0xbb: {  	[sflag:s29] =	ssyncadd.s32 $0xFFFFFFFF  }
0xbc: {  	_ =	strace $0x90000048  }
0xbd: {  	_ =	sfence  }
0xbe: {  	s30 =	sld [smem:$0x0];
	_ =	sdelay $0x2  }
0xbf: {  	s31 =	sshll.u32 s1, $0xD;
	s1 =	sshrl.u32 s1, $0x2  }
0xc0: {  	s3 =	sand.u32 $0x4000, s31;
	s1 =	sadd.s32 s1, s30  }
0xc1: {  	s0 =	sor.u32 s3, s0;
	s1 =	sshll.u32 s1, $0x11  }
0xc2: {  	s0 =	sor.u32 s1, s0  }
0xc3: {  	s0 =	sadd.s32 $0x8F2B, s0  }
0xc4: {  	[sflag:s0] =	ssyncadd.remote.s32 $0x1  }
0xc5: {  	_ =	sfence.sel $0xFFFF  }
0xc6: {  	[dreg:$0x0] =	wrdreg $0xFFFFFFFF;
	(pc) =	sbr.abs _section_cstart, $3  }
0xc7: {  	[dreg:$0x1] =	wrdreg $0xFFFFFFFF  }
0xc8: {  	_ =	task.clear_ibuf [dreg:s11], $0x2FFFF;
	_ =	strace $0x9FFFFFFF  }
0xc9: {  	(tm) =	ssettm $0x7FFFFFFF  }
tec
execute0_lowered:
.L_overlay_start_1:
0x0: {  	(tag) =	ssettag $0x1  }
0x1: {  	s3 =	rddreg [dreg:$0x0]  }
0x2: {  	s4 =	rddreg [dreg:$0x1]  }
0x3: {  	s6 =	rddreg [dreg:$0x2];
	s0 =	srdreg.scid  }
0x4: {  	s5 =	rddreg [dreg:$0x3];
	s1 =	stileid.u32;
	s0 =	sand.u32 $0x1, s0  }
0x5: {  	s7 =	simm.s32 $0x0;
	s1 =	sshll.u32 s1, $0x11;
	s2 =	sshll.u32 s0, $0x10  }
0x6: {  	[smem:$0x7FF] =	sst s7;
	s21 =	sor.u32 s2, s1  }
0x7: {  	_ =	strace $0x80000047;
	s28 =	sor.u32 $0x1000, s21;
	[dreg:$0x6] =	wrdreg s21  }
0x8: {  	s0 =	ssub.s32 $0x2, s0;
	s30 =	sshll.u32 s21, $0x2;
	[dreg:$0xd] =	wrdreg s28  }
0x9: {  	s2 =	sshrl.u32 s21, $0x3;
	s31 =	sor.u32 $0x1800, s21;
	[dreg:$0xe] =	wrdreg s30  }
0xa: {  	s22 =	sshrl.u32 s0, $0x1;
	s23 =	sadd.s32 s3, s2;
	[dreg:$0xf] =	wrdreg s31  }
0xb: {  	s0 =	ssub.s32 s0, s22;
	s8 =	sadd.s32 s4, s2;
	[dreg:$0x7] =	wrdreg s23  }
0xc: {  	s24 =	sor.u32 $0x100, s2;
	s2 =	sadd.s32 s6, s2;
	[dreg:$0x8] =	wrdreg s8  }
0xd: {  	s0 =	smax.u32 s0, $0x1;
	[dreg:$0x9] =	wrdreg s2  }
.Ltmp0:
0xe: {  	s25 =	sadd.s32 s3, s24;
	[dreg:$0x10] =	wrdreg s0;
	(pc) =	sbr.rel .LBB2_1-.Ltmp0, $4  }
0xf: {  	s26 =	sadd.s32 s4, s24;
	[dreg:$0xa] =	wrdreg s25  }
0x10: {  	s29 =	simm.s32 $0x2;
	s1 =	sadd.s32 s6, s24;
	[dreg:$0xb] =	wrdreg s26  }
0x11: {  	s24 =	simm.s32 $0x3;
	s4 =	simm.s32 $0x4;
	[dreg:$0xc] =	wrdreg s1  }
0x12: {  	s25 =	simm.s32 $0x80;
	s26 =	simm.s32 $0x5;
	s1 =	simm.s32 $0x0  }
.LBB2_12:
0x13: {  	_ =	swait.ge [sflag:s26], $0x2000  }
0x14: {  	s1 =	rddreg [dreg:$0x11]  }
0x15: {  	s0 =	rddreg [dreg:$0x10];
	s1 =	sadd.s32 $0x1, s1  }
0x16: {  	p0 =	sne.s32 s1, s0  }
.Ltmp1:
0x17: {  	_ = 	snop;
	(pc) =	sbr.rel @!p0 .LBB2_13-.Ltmp1, $3  }
0x18: {  	_ =	sdelay $0x1  }
0x19: {  	[sflag:s26] =	ssyncset.done $0x0  }
0x1a: {  	[sflag:s26] =	ssyncadd.s32 $0xFFFFE000  }
.LBB2_1:
0x1b: {  	[dreg:$0x11] =	wrdreg s1  }
0x1c: {  	s0 =	simm.s32 $0x0;
	s11 =	rddreg [dreg:$0x7]  }
0x1d: {  	[tilespmem:s0], [sflag:$0x3] =	stream.linear.gather [hbm4b:s11+s0], $0x800, $0x38;
	[tilespmem:$0xA000] =	vst v63  }
0x1e: {  	s12 =	rddreg [dreg:$0x8];
	s2 =	simm.s32 $0x800  }
0x1f: {  	[tilespmem:s2], [sflag:$0x3] =	stream.linear.gather [hbm4b:s12+s0], $0x800, $0x38;
	[tilespmem:$0xA000] =	vst v63  }
0x20: {  	s13 =	rddreg [dreg:$0x9];
	s14 =	simm.s32 $0x1000  }
0x21: {  	[tilespmem:s14], [sflag:$0x3] =	stream.linear.gather [hbm4b:s13+s0], $0x800, $0x38;
	[tilespmem:$0xA000] =	vst v63  }
0x22: {  	s15 =	rddreg [dreg:$0xa];
	s16 =	simm.s32 $0x1800  }
0x23: {  	[tilespmem:s16], [sflag:$0x4] =	stream.linear.gather [hbm4b:s15+s0], $0x800, $0x38;
	[tilespmem:$0xA000] =	vst v63  }
0x24: {  	s17 =	rddreg [dreg:$0xb];
	s18 =	simm.s32 $0x2000  }
0x25: {  	[tilespmem:s18], [sflag:$0x4] =	stream.linear.gather [hbm4b:s17+s0], $0x800, $0x38;
	[tilespmem:$0xA000] =	vst v63  }
0x26: {  	s19 =	rddreg [dreg:$0xc];
	s20 =	simm.s32 $0x2800  }
0x27: {  	[tilespmem:s20], [sflag:$0x4] =	stream.linear.gather [hbm4b:s19+s0], $0x800, $0x38;
	[tilespmem:$0xA000] =	vst v63  }
0x28: {  	_ =	swait.ge [sflag:s24], $0x800  }
0x29: {  	[sflag:s24] =	ssyncset.done $0x0  }
0x2a: {  	[sflag:s24] =	ssyncadd.s32 $0xFFFFF800  }
0x2b: {  	_ =	swait.ge [sflag:s24], $0x800  }
0x2c: {  	[sflag:s24] =	ssyncset.done $0x0  }
0x2d: {  	[sflag:s24] =	ssyncadd.s32 $0xFFFFF800  }
0x2e: {  	_ =	swait.ge [sflag:s24], $0x800  }
0x2f: {  	[sflag:s24] =	ssyncset.done $0x0  }
0x30: {  	s21 =	simm.s32 $0x20;
	[sflag:s24] =	ssyncadd.s32 $0xFFFFF800  }
0x31: {  	s22 =	simm.s32 $0x1020;
	v0 =	vld [tilespmem:s21+$0xFFFFFFE0]  }
0x32: {  	s23 =	simm.s32 $0x820;
	v1 =	vld [tilespmem:s22+$0xFFFFFFE0]  }
0x33: {  	v2 =	vld [tilespmem:s23+$0xFFFFFFE0]  }
0x34: {  	v3 =	vld [tilespmem:s23+$0x10]  }
0x35: {  	v4 =	vld [tilespmem:s22+$0x10]  }
0x36: {  	v5 =	vld [tilespmem:s22+$0xFFFFFFF0]  }
0x37: {  	v6 =	vld [tilespmem:s22+$0x0]  }
0x38: {  	v7 =	vld [tilespmem:s23+$0xFFFFFFF0]  }
0x39: {  	v9 =	vld [tilespmem:s21+$0xFFFFFFF0]  }
0x3a: {  	v10 =	vld [tilespmem:s23+$0x0];
	v0 =	vmul.f32 $1.000000000e+02, v0;
	v1 =	vmul.f32 $1.024000000e+03, v1  }
0x3b: {  	v8 =	vld [tilespmem:s21+$0x10];
	v2 =	vmul.f32 $1.024000000e+03, v2;
	v3 =	vmul.f32 $1.024000000e+03, v3  }
0x3c: {  	v4 =	vmul.f32 $1.024000000e+03, v4;
	v5 =	vmul.f32 $1.024000000e+03, v5  }
0x3d: {  	v6 =	vmul.f32 $1.024000000e+03, v6;
	v7 =	vmul.f32 $1.024000000e+03, v7;
	v0 =	vadd.f32 $8.388608000e+06, v0  }
0x3e: {  	v9 =	vmul.f32 $1.000000000e+02, v9;
	v2 =	vadd.f32 $8.388608000e+06, v2;
	v3 =	vadd.f32 $8.388608000e+06, v3  }
0x3f: {  	v10 =	vmul.f32 $1.024000000e+03, v10;
	v4 =	vadd.f32 $8.388608000e+06, v4;
	v7 =	vadd.f32 $8.388608000e+06, v7  }
0x40: {  	v8 =	vmul.f32 $1.000000000e+02, v8;
	v1 =	vadd.f32 $8.388608000e+06, v1;
	v5 =	vadd.f32 $8.388608000e+06, v5  }
0x41: {  	v9 =	vadd.f32 $8.388608000e+06, v9;
	v10 =	vadd.f32 $8.388608000e+06, v10  }
0x42: {  	v8 =	vadd.f32 $8.388608000e+06, v8;
	v6 =	vadd.f32 $8.388608000e+06, v6  }
0x43: {  	v0 =	vadd.s32 $0xB5000000, v0;
	v2 =	vadd.s32 $0xB5000000, v2;
	v4 =	vadd.s32 $0xB5000000, v4  }
0x44: {  	v7 =	vadd.s32 $0xB5000000, v7;
	v3 =	vadd.s32 $0xB5000000, v3;
	v1 =	vadd.s32 $0xB5000000, v1  }
0x45: {  	v9 =	vadd.s32 $0xB5000000, v9;
	v10 =	vadd.s32 $0xB5000000, v10;
	v8 =	vadd.s32 $0xB5000000, v8  }
0x46: {  	v5 =	vadd.s32 $0xB5000000, v5;
	v6 =	vadd.s32 $0xB5000000, v6;
	vm0 =	vlt.s32 v0, $0x63  }
0x47: {  	vm8 =	vlt.s32 v2, $0x3FF;
	vm1 =	vlt.s32 v4, $0x3FF;
	vm9 =	vlt.s32 v1, $0x3FF  }
0x48: {  	vm2 =	vlt.s32 v10, $0x3FF;
	vm3 =	vlt.s32 v9, $0x63;
	v0 =	vnsel vm0, $0x63, v0  }
0x49: {  	vm10 =	vlt.s32 v3, $0x3FF;
	vm11 =	vlt.s32 v5, $0x3FF;
	v11 =	vmul.u32 $0xC00, v0;
	v0 =	vld [tilespmem:s21+$0x0]  }
0x4a: {  	vm12 =	vlt.s32 v8, $0x63;
	vm13 =	vlt.s32 v6, $0x3FF;
	vm14 =	vlt.s32 v7, $0x3FF  }
0x4b: {  	v4 =	vnsel vm1, $0x3FF, v4;
	v10 =	vnsel vm2, $0x3FF, v10;
	v9 =	vnsel vm3, $0x63, v9  }
0x4c: {  	v2 =	vnsel vm8, $0x3FF, v2;
	v14 =	vnsel vm10, $0x3FF, v3;
	v15 =	vnsel vm9, $0x3FF, v1  }
0x4d: {  	v1 =	vnsel vm11, $0x3FF, v5;
	v6 =	vnsel vm13, $0x3FF, v6;
	v13 =	vshll.u32 v10, $0x7  }
0x4e: {  	v16 =	vshll.u32 v15, $0x3;
	v3 =	vand.u32 $0x7F, v4;
	v12 =	vmul.f32 $1.000000000e+02, v0  }
0x4f: {  	v17 =	vshll.u32 v2, $0x7;
	v5 =	vand.u32 $0x7F, v15;
	v9 =	vmul.u32 $0xC00, v9  }
0x50: {  	v15 =	vshll.u32 v14, $0x7;
	v18 =	vshll.u32 v6, $0x3;
	v12 =	vadd.f32 $8.388608000e+06, v12  }
0x51: {  	v6 =	vand.u32 $0x7F, v6;
	v13 =	vand.u32 $0x380, v13;
	v2 =	vadd.s32 v2, v11  }
0x52: {  	v11 =	vnsel vm14, $0x3FF, v7;
	v7 =	vnsel vm12, $0x63, v8;
	v12 =	vadd.s32 $0xB5000000, v12  }
0x53: {  	v6 =	vor.u32 v13, v6;
	v8 =	vshll.u32 v11, $0x7;
	vm15 =	vlt.s32 v12, $0x63  }
0x54: {  	v63 =	vmul.u32 $0xC00, v7;
	v2 =	vshll.u32 v2, $0xA;
	v12 =	vnsel vm15, $0x63, v12  }
0x55: {  	v7 =	vand.u32 $0x380, v8;
	v8 =	vand.u32 $0x380, v15;
	v12 =	vmul.u32 $0xC00, v12  }
0x56: {  	s28 =	simm.s32 $0x0;
	s9 =	simm.s32 $0x10;
	s31 =	simm.s32 $0x20;
	v15 =	vadd.s32 v11, v9;
	v11 =	vand.u32 $0x380, v17;
	v0 =	vshll.u32 v4, $0x3  }
0x57: {  	s11 =	simm.s32 $0x1060;
	s12 =	simm.s32 $0x860;
	s0 =	smul.u32 $0x600, s28;
	v4 =	vand.u32 $0xFFFFFC00, v16;
	v10 =	vadd.s32 v10, v12;
	v12 =	vand.u32 $0xFFFFFC00, v18  }
0x58: {  	s13 =	simm.s32 $0x60;
	s14 =	simm.s32 $0x0;
	s17 =	simm.s32 $0x0;
	v9 =	vshll.u32 v10, $0xA;
	v10 =	vadd.s32 v14, v63;
	v13 =	vor.u32 v12, v6  }
0x59: {  	s18 =	simm.s32 $0x0;
	s19 =	simm.s32 $0x30;
	s10 =	sshra.s32 s0, $0x2;
	v14 =	vand.u32 $0xFFFFE000, v9;
	v9 =	vand.u32 $0xFFFFE000, v2;
	v2 =	vshll.u32 v15, $0xA  }
0x5a: {  	s30 =	sadd.s32 $0x3080, s10;
	s0 =	sadd.s32 $0x3100, s10;
	s22 =	sand.u32 $0x60, s31;
	v12 =	vand.u32 $0x7F, v1;
	v6 =	vand.u32 $0xFFFFE000, v2;
	v2 =	vor.u32 v14, v13  }
.LBB2_2:
0x5b: {  	s17 =	sadd.s32 $0x4, s17;
	v13 =	vld [tilespmem:s13+$0xFFFFFFE0];
	v5 =	vor.u32 v11, v5;
	v1 =	vshll.u32 v1, $0x3;
	v7 =	vor.u32 v7, v12;
	s3 =	sand.u32 $0x70, s19;
	s14 =	sadd.s32 $0x40, s14  }
0x5c: {  	v10 =	vshll.u32 v10, $0xA;
	v0 =	vand.u32 $0xFFFFFC00, v0;
	v3 =	vor.u32 v8, v3;
	v11 =	vld [tilespmem:s11+$0xFFFFFFE0];
	s1 =	sshrl.u32 s17, $0x3;
	s19 =	sadd.s32 $0x30, s14;
	p0 =	slt.u32 s17, $0x7C  }
0x5d: {  	v4 =	vor.u32 v4, v5;
	v5 =	vand.u32 $0xFFFFE000, v10;
	v0 =	vor.u32 v0, v3;
	v8 =	vld [tilespmem:s12+$0xFFFFFFE0];
	s21 =	smul.u32 $0x600, s1;
	s1 =	sand.u32 $0x40, s18;
	s18 =	sadd.s32 $0x3000, s10  }
0x5e: {  	v4 =	vor.u32 v9, v4;
	v0 =	vor.u32 v5, v0;
	v3 =	vld [tilespmem:s12+$0x10];
	s31 =	sor.u32 s1, s18;
	s2 =	sor.u32 s1, s30;
	s1 =	sor.u32 s1, s0  }
0x5f: {  	s28 =	sadd.s32 $0x10, s14;
	v9 =	vadd.s32 $0x100000, v4;
	v10 =	vadd.s32 $0x100000, v0;
	v12 =	vadd.s32 $0x200000, v0;
	s10 =	sshra.s32 s21, $0x2;
	v5 =	vld [tilespmem:s11+$0x10];
	[tilespmem:s31+$0x0] =	vst v4;
	s21 =	sor.u32 s3, s18  }
0x60: {  	v1 =	vand.u32 $0xFFFFFC00, v1;
	s8 =	sor.u32 s3, s30;
	v4 =	vadd.s32 $0x200000, v4;
	v13 =	vmul.f32 $1.000000000e+02, v13;
	s31 =	sadd.s32 $0x3080, s10;
	s6 =	sadd.s32 $0x3100, s10;
	v14 =	vld [tilespmem:s11+$0xFFFFFFF0];
	[tilespmem:s21+$0x0] =	vst v0  }
0x61: {  	s9 =	sand.u32 $0x50, s9;
	v1 =	vor.u32 v1, v7;
	v7 =	vadd.s32 $0x100000, v2;
	s3 =	sor.u32 s3, s0;
	s21 =	sadd.s32 $0x20, s14;
	v0 =	vmul.f32 $1.024000000e+03, v11;
	v11 =	vld [tilespmem:s11+$0x0];
	[tilespmem:s8+$0x0] =	vst v10  }
0x62: {  	s15 =	sor.u32 s9, s30;
	s16 =	sor.u32 s9, s0;
	v1 =	vor.u32 v6, v1;
	s8 =	sor.u32 s9, s18;
	v10 =	vadd.f32 $8.388608000e+06, v13;
	v8 =	vmul.f32 $1.024000000e+03, v8;
	v13 =	vld [tilespmem:s12+$0xFFFFFFF0];
	[tilespmem:s3+$0x0] =	vst v12  }
0x63: {  	v15 =	vadd.s32 $0x200000, v2;
	s9 =	smov.u32 s28;
	v12 =	vadd.s32 $0x200000, v1;
	s3 =	sor.u32 s22, s18;
	s18 =	smov.u32 s14;
	v6 =	vld [tilespmem:s13+$0x10];
	v3 =	vmul.f32 $1.024000000e+03, v3;
	[tilespmem:s8+$0x0] =	vst v1  }
0x64: {  	v1 =	vadd.s32 $0x100000, v1;
	v10 =	vadd.s32 $0xB5000000, v10;
	v16 =	vld [tilespmem:s13+$0xFFFFFFF0];
	v5 =	vmul.f32 $1.024000000e+03, v5;
	[tilespmem:s3+$0x0] =	vst v2;
	s3 =	sor.u32 s22, s30;
	s30 =	smov.u32 s31  }
0x65: {  	v2 =	vadd.f32 $8.388608000e+06, v8;
	vm0 =	vlt.s32 v10, $0x63;
	v8 =	vmul.f32 $1.024000000e+03, v14;
	v14 =	vld [tilespmem:s12+$0x0];
	[tilespmem:s3+$0x0] =	vst v7;
	s3 =	sor.u32 s22, s0;
	s0 =	smov.u32 s6  }
0x66: {  	v3 =	vadd.f32 $8.388608000e+06, v3;
	v7 =	vmul.f32 $1.024000000e+03, v11;
	v5 =	vadd.f32 $8.388608000e+06, v5;
	[tilespmem:s3+$0x0] =	vst v15  }
0x67: {  	v10 =	vnsel vm0, $0x63, v10;
	v2 =	vadd.s32 $0xB5000000, v2;
	v11 =	vmul.f32 $1.024000000e+03, v13;
	[tilespmem:s15+$0x0] =	vst v1  }
0x68: {  	vm0 =	vlt.s32 v2, $0x3FF;
	v10 =	vmul.u32 $0xC00, v10;
	v1 =	vld [tilespmem:s13+$0x0];
	v6 =	vmul.f32 $1.000000000e+02, v6;
	[tilespmem:s16+$0x0] =	vst v12  }
0x69: {  	v5 =	vadd.s32 $0xB5000000, v5;
	v12 =	vmul.f32 $1.000000000e+02, v16;
	v11 =	vadd.f32 $8.388608000e+06, v11;
	[tilespmem:s2+$0x0] =	vst v9  }
0x6a: {  	v0 =	vadd.f32 $8.388608000e+06, v0;
	v8 =	vadd.f32 $8.388608000e+06, v8;
	v9 =	vmul.f32 $1.024000000e+03, v14;
	[tilespmem:s1+$0x0] =	vst v4  }
0x6b: {  	v3 =	vadd.s32 $0xB5000000, v3;
	v4 =	vadd.f32 $8.388608000e+06, v12;
	v11 =	vadd.s32 $0xB5000000, v11  }
0x6c: {  	vm1 =	vlt.s32 v5, $0x3FF;
	v12 =	vadd.s32 $0xB5000000, v0;
	v0 =	vadd.f32 $8.388608000e+06, v9  }
0x6d: {  	v5 =	vnsel vm1, $0x3FF, v5;
	v4 =	vadd.s32 $0xB5000000, v4;
	v1 =	vmul.f32 $1.000000000e+02, v1  }
0x6e: {  	vm1 =	vlt.s32 v12, $0x3FF;
	v9 =	vadd.s32 $0xB5000000, v0;
	v0 =	vshll.u32 v5, $0x3  }
0x6f: {  	v13 =	vadd.f32 $8.388608000e+06, v1;
	vm2 =	vlt.s32 v9, $0x3FF;
	v1 =	vadd.f32 $8.388608000e+06, v6  }
0x70: {  	vm3 =	vlt.s32 v4, $0x63;
	v6 =	vnsel vm2, $0x3FF, v9;
	vm2 =	vlt.s32 v3, $0x3FF  }
0x71: {  	v9 =	vnsel vm3, $0x63, v4;
	v4 =	vshll.u32 v6, $0x7;
	v14 =	vadd.s32 $0xB5000000, v1  }
0x72: {  	v2 =	vnsel vm0, $0x3FF, v2;
	v1 =	vadd.s32 $0xB5000000, v8;
	v15 =	vand.u32 $0x380, v4  }
0x73: {  	v16 =	vnsel vm2, $0x3FF, v3;
	vm0 =	vlt.s32 v1, $0x3FF;
	v4 =	vadd.f32 $8.388608000e+06, v7  }
0x74: {  	v7 =	vnsel vm1, $0x3FF, v12;
	v1 =	vnsel vm0, $0x3FF, v1;
	vm0 =	vlt.s32 v14, $0x63  }
0x75: {  	v3 =	vand.u32 $0x7F, v5;
	v12 =	vadd.s32 $0xB5000000, v13;
	v8 =	vshll.u32 v7, $0x3  }
0x76: {  	v13 =	vshll.u32 v2, $0x7;
	v5 =	vand.u32 $0x7F, v7;
	v17 =	vadd.s32 $0xB5000000, v4  }
0x77: {  	v9 =	vmul.u32 $0xC00, v9;
	v4 =	vand.u32 $0xFFFFFC00, v8;
	vm1 =	vlt.s32 v17, $0x3FF  }
0x78: {  	vm2 =	vlt.s32 v11, $0x3FF;
	vm3 =	vlt.s32 v12, $0x63;
	v8 =	vshll.u32 v16, $0x7  }
0x79: {  	v2 =	vadd.s32 v2, v10;
	v10 =	vnsel vm2, $0x3FF, v11;
	v7 =	vnsel vm0, $0x63, v14  }
0x7a: {  	v11 =	vshll.u32 v10, $0x7;
	v12 =	vnsel vm3, $0x63, v12;
	v14 =	vmul.u32 $0xC00, v7  }
0x7b: {  	v7 =	vand.u32 $0x380, v11;
	v12 =	vmul.u32 $0xC00, v12;
	v11 =	vnsel vm1, $0x3FF, v17  }
0x7c: {  	v2 =	vshll.u32 v2, $0xA;
	v8 =	vand.u32 $0x380, v8;
	v17 =	vshll.u32 v11, $0x3  }
.Ltmp2:
0x7d: {  	v6 =	vadd.s32 v6, v12;
	v12 =	vand.u32 $0xFFFFFC00, v17;
	v17 =	vand.u32 $0x7F, v11;
	(pc) =	sbr.rel @p0 .LBB2_2-.Ltmp2, $4  }
0x7e: {  	v18 =	vadd.s32 v10, v9;
	v10 =	vadd.s32 v16, v14;
	v6 =	vshll.u32 v6, $0xA  }
0x7f: {  	v11 =	vand.u32 $0x380, v13;
	v13 =	vand.u32 $0xFFFFE000, v6;
	v6 =	vor.u32 v15, v17  }
0x80: {  	s22 =	sand.u32 $0x60, s21;
	v9 =	vand.u32 $0xFFFFE000, v2;
	v2 =	vshll.u32 v18, $0xA;
	v14 =	vor.u32 v12, v6  }
0x81: {  	s11 =	sadd.s32 $0x40, s11;
	s12 =	sadd.s32 $0x40, s12;
	s13 =	sadd.s32 $0x40, s13;
	v6 =	vand.u32 $0xFFFFE000, v2;
	v12 =	vand.u32 $0x7F, v1;
	v2 =	vor.u32 v13, v14  }
0x82: {  	s1 =	sand.u32 $0x40, s18;
	s2 =	sadd.s32 $0x3000, s10  }
0x83: {  	v5 =	vor.u32 v11, v5;
	v10 =	vshll.u32 v10, $0xA;
	s3 =	sand.u32 $0x70, s19;
	s10 =	sand.u32 $0x50, s9;
	s6 =	sor.u32 s1, s2  }
0x84: {  	v0 =	vand.u32 $0xFFFFFC00, v0;
	v3 =	vor.u32 v8, v3;
	v4 =	vor.u32 v4, v5;
	s7 =	sor.u32 s3, s2;
	s11 =	sor.u32 s10, s2;
	s2 =	sor.u32 s22, s2  }
0x85: {  	v55 =	vand.u32 $0xFFFFE000, v10;
	v0 =	vor.u32 v0, v3;
	v56 =	vor.u32 v9, v4;
	[tilespmem:s2+$0x0] =	vst v2  }
0x86: {  	v1 =	vshll.u32 v1, $0x3;
	v0 =	vor.u32 v55, v0;
	[tilespmem:s6+$0x0] =	vst v56  }
0x87: {  	v57 =	vor.u32 v7, v12;
	v58 =	vadd.s32 $0x100000, v2;
	s12 =	sor.u32 s22, s30;
	v1 =	vand.u32 $0xFFFFFC00, v1;
	[tilespmem:s7+$0x0] =	vst v0  }
0x88: {  	s8 =	sor.u32 s3, s30;
	v1 =	vor.u32 v1, v57;
	v5 =	vadd.s32 $0x100000, v0;
	[tilespmem:s12+$0x0] =	vst v58  }
0x89: {  	v1 =	vor.u32 v6, v1;
	[tilespmem:s8+$0x0] =	vst v5  }
0x8a: {  	v59 =	vadd.s32 $0x200000, v2;
	s13 =	sor.u32 s22, s0;
	[tilespmem:s11+$0x0] =	vst v1  }
0x8b: {  	s16 =	sor.u32 s1, s30;
	v62 =	vadd.s32 $0x100000, v56;
	[tilespmem:s13+$0x0] =	vst v59  }
0x8c: {  	s3 =	sor.u32 s3, s0;
	v0 =	vadd.s32 $0x200000, v0;
	[tilespmem:s16+$0x0] =	vst v62  }
0x8d: {  	s14 =	sor.u32 s10, s30;
	v60 =	vadd.s32 $0x100000, v1;
	[tilespmem:s3+$0x0] =	vst v0  }
0x8e: {  	s17 =	sor.u32 s1, s0;
	v63 =	vadd.s32 $0x200000, v56;
	[tilespmem:s14+$0x0] =	vst v60  }
0x8f: {  	s15 =	sor.u32 s10, s0;
	v61 =	vadd.s32 $0x200000, v1;
	[tilespmem:s17+$0x0] =	vst v63  }
0x90: {  	s18 =	simm.s32 $0x3000;
	s19 =	simm.s32 $0x6000;
	[tilespmem:s15+$0x0] =	vst v61  }
0x91: {  	[tilespmem:s19], [sflag:$0x1] =	stream.indirect.gather [hbm4b:s5+s25], $0x1, s18, s25, $0xb8;
	[tilespmem:$0xA000] =	vst v63  }
0x92: {  	s20 =	simm.s32 $0x3080;
	s21 =	simm.s32 $0x6080  }
0x93: {  	[tilespmem:s21], [sflag:$0x1] =	stream.indirect.gather [hbm4b:s5+s25], $0x1, s20, s25, $0xb8;
	[tilespmem:$0xA000] =	vst v63  }
0x94: {  	s23 =	simm.s32 $0x6100;
	s22 =	simm.s32 $0x3100  }
0x95: {  	[tilespmem:s23], [sflag:$0x1] =	stream.indirect.gather [hbm4b:s5+s25], $0x1, s22, s25, $0xb8;
	[tilespmem:$0xA000] =	vst v63  }
0x96: {  	s28 =	simm.s32 $0x3180;
	s31 =	simm.s32 $0x6200  }
0x97: {  	[tilespmem:s31], [sflag:$0x1] =	stream.indirect.gather [hbm4b:s5+s25], $0x1, s28, s25, $0xb8;
	[tilespmem:$0xA000] =	vst v63  }
0x98: {  	s2 =	simm.s32 $0x3200;
	s3 =	simm.s32 $0x6280  }
0x99: {  	[tilespmem:s3], [sflag:$0x1] =	stream.indirect.gather [hbm4b:s5+s25], $0x1, s2, s25, $0xb8;
	[tilespmem:$0xA000] =	vst v63  }
0x9a: {  	s6 =	simm.s32 $0x3280;
	s7 =	simm.s32 $0x6300  }
0x9b: {  	[tilespmem:s7], [sflag:$0x1] =	stream.indirect.gather [hbm4b:s5+s25], $0x1, s6, s25, $0xb8;
	[tilespmem:$0xA000] =	vst v63  }
0x9c: {  	s9 =	simm.s32 $0x6400;
	s8 =	simm.s32 $0x3300  }
0x9d: {  	[tilespmem:s9], [sflag:$0x1] =	stream.indirect.gather [hbm4b:s5+s25], $0x1, s8, s25, $0xb8;
	[tilespmem:$0xA000] =	vst v63  }
0x9e: {  	s10 =	simm.s32 $0x3380;
	s11 =	simm.s32 $0x6480  }
0x9f: {  	[tilespmem:s11], [sflag:$0x1] =	stream.indirect.gather [hbm4b:s5+s25], $0x1, s10, s25, $0xb8;
	[tilespmem:$0xA000] =	vst v63  }
0xa0: {  	s12 =	simm.s32 $0x3400;
	s13 =	simm.s32 $0x6500  }
0xa1: {  	[tilespmem:s13], [sflag:$0x1] =	stream.indirect.gather [hbm4b:s5+s25], $0x1, s12, s25, $0xb8;
	[tilespmem:$0xA000] =	vst v63  }
0xa2: {  	s14 =	simm.s32 $0x3480;
	s15 =	simm.s32 $0x6600  }
0xa3: {  	[tilespmem:s15], [sflag:$0x1] =	stream.indirect.gather [hbm4b:s5+s25], $0x1, s14, s25, $0xb8;
	[tilespmem:$0xA000] =	vst v63  }
0xa4: {  	s16 =	simm.s32 $0x3500;
	s17 =	simm.s32 $0x6680  }
0xa5: {  	[tilespmem:s17], [sflag:$0x1] =	stream.indirect.gather [hbm4b:s5+s25], $0x1, s16, s25, $0xb8;
	[tilespmem:$0xA000] =	vst v63  }
0xa6: {  	s18 =	simm.s32 $0x3580;
	s19 =	simm.s32 $0x6700  }
0xa7: {  	[tilespmem:s19], [sflag:$0x1] =	stream.indirect.gather [hbm4b:s5+s25], $0x1, s18, s25, $0xb8;
	[tilespmem:$0xA000] =	vst v63  }
0xa8: {  	s20 =	simm.s32 $0x3600;
	s21 =	simm.s32 $0x6800  }
0xa9: {  	[tilespmem:s21], [sflag:$0x1] =	stream.indirect.gather [hbm4b:s5+s25], $0x1, s20, s25, $0xb8;
	[tilespmem:$0xA000] =	vst v63  }
0xaa: {  	s22 =	simm.s32 $0x3680;
	s23 =	simm.s32 $0x6880  }
0xab: {  	[tilespmem:s23], [sflag:$0x1] =	stream.indirect.gather [hbm4b:s5+s25], $0x1, s22, s25, $0xb8;
	[tilespmem:$0xA000] =	vst v63  }
0xac: {  	s28 =	simm.s32 $0x3700;
	s31 =	simm.s32 $0x6900  }
0xad: {  	[tilespmem:s31], [sflag:$0x1] =	stream.indirect.gather [hbm4b:s5+s25], $0x1, s28, s25, $0xb8;
	[tilespmem:$0xA000] =	vst v63  }
0xae: {  	s2 =	simm.s32 $0x3780;
	s3 =	simm.s32 $0x6A00  }
0xaf: {  	[tilespmem:s3], [sflag:$0x1] =	stream.indirect.gather [hbm4b:s5+s25], $0x1, s2, s25, $0xb8;
	[tilespmem:$0xA000] =	vst v63  }
0xb0: {  	s6 =	simm.s32 $0x3800;
	s7 =	simm.s32 $0x6A80  }
0xb1: {  	[tilespmem:s7], [sflag:$0x1] =	stream.indirect.gather [hbm4b:s5+s25], $0x1, s6, s25, $0xb8;
	[tilespmem:$0xA000] =	vst v63  }
0xb2: {  	s8 =	simm.s32 $0x3880;
	s9 =	simm.s32 $0x6B00  }
0xb3: {  	[tilespmem:s9], [sflag:$0x1] =	stream.indirect.gather [hbm4b:s5+s25], $0x1, s8, s25, $0xb8;
	[tilespmem:$0xA000] =	vst v63  }
0xb4: {  	s10 =	simm.s32 $0x3900;
	s11 =	simm.s32 $0x6C00  }
0xb5: {  	[tilespmem:s11], [sflag:$0x1] =	stream.indirect.gather [hbm4b:s5+s25], $0x1, s10, s25, $0xb8;
	[tilespmem:$0xA000] =	vst v63  }
0xb6: {  	s12 =	simm.s32 $0x3980;
	s13 =	simm.s32 $0x6C80  }
0xb7: {  	[tilespmem:s13], [sflag:$0x1] =	stream.indirect.gather [hbm4b:s5+s25], $0x1, s12, s25, $0xb8;
	[tilespmem:$0xA000] =	vst v63  }
0xb8: {  	s14 =	simm.s32 $0x3A00;
	s15 =	simm.s32 $0x6D00  }
0xb9: {  	[tilespmem:s15], [sflag:$0x1] =	stream.indirect.gather [hbm4b:s5+s25], $0x1, s14, s25, $0xb8;
	[tilespmem:$0xA000] =	vst v63  }
0xba: {  	s16 =	simm.s32 $0x3A80;
	s17 =	simm.s32 $0x6E00  }
0xbb: {  	[tilespmem:s17], [sflag:$0x1] =	stream.indirect.gather [hbm4b:s5+s25], $0x1, s16, s25, $0xb8;
	[tilespmem:$0xA000] =	vst v63  }
0xbc: {  	s18 =	simm.s32 $0x3B00;
	s19 =	simm.s32 $0x6E80  }
0xbd: {  	[tilespmem:s19], [sflag:$0x1] =	stream.indirect.gather [hbm4b:s5+s25], $0x1, s18, s25, $0xb8;
	[tilespmem:$0xA000] =	vst v63  }
0xbe: {  	s20 =	simm.s32 $0x3B80;
	s21 =	simm.s32 $0x6F00  }
0xbf: {  	[tilespmem:s21], [sflag:$0x1] =	stream.indirect.gather [hbm4b:s5+s25], $0x1, s20, s25, $0xb8;
	[tilespmem:$0xA000] =	vst v63  }
0xc0: {  	s22 =	simm.s32 $0x3C00;
	s23 =	simm.s32 $0x7000  }
0xc1: {  	[tilespmem:s23], [sflag:$0x1] =	stream.indirect.gather [hbm4b:s5+s25], $0x1, s22, s25, $0xb8;
	[tilespmem:$0xA000] =	vst v63  }
0xc2: {  	s28 =	simm.s32 $0x3C80;
	s31 =	simm.s32 $0x7080  }
0xc3: {  	[tilespmem:s31], [sflag:$0x1] =	stream.indirect.gather [hbm4b:s5+s25], $0x1, s28, s25, $0xb8;
	[tilespmem:$0xA000] =	vst v63  }
0xc4: {  	s2 =	simm.s32 $0x3D00;
	s3 =	simm.s32 $0x7100  }
0xc5: {  	[tilespmem:s3], [sflag:$0x1] =	stream.indirect.gather [hbm4b:s5+s25], $0x1, s2, s25, $0xb8;
	[tilespmem:$0xA000] =	vst v63  }
0xc6: {  	s6 =	simm.s32 $0x3D80;
	s7 =	simm.s32 $0x7200  }
0xc7: {  	[tilespmem:s7], [sflag:$0x1] =	stream.indirect.gather [hbm4b:s5+s25], $0x1, s6, s25, $0xb8;
	[tilespmem:$0xA000] =	vst v63  }
0xc8: {  	s8 =	simm.s32 $0x3E00;
	s9 =	simm.s32 $0x7280  }
0xc9: {  	[tilespmem:s9], [sflag:$0x1] =	stream.indirect.gather [hbm4b:s5+s25], $0x1, s8, s25, $0xb8;
	[tilespmem:$0xA000] =	vst v63  }
0xca: {  	s10 =	simm.s32 $0x3E80;
	s11 =	simm.s32 $0x7300  }
0xcb: {  	[tilespmem:s11], [sflag:$0x1] =	stream.indirect.gather [hbm4b:s5+s25], $0x1, s10, s25, $0xb8;
	[tilespmem:$0xA000] =	vst v63  }
0xcc: {  	s12 =	simm.s32 $0x3F00;
	s13 =	simm.s32 $0x7400  }
0xcd: {  	[tilespmem:s13], [sflag:$0x1] =	stream.indirect.gather [hbm4b:s5+s25], $0x1, s12, s25, $0xb8;
	[tilespmem:$0xA000] =	vst v63  }
0xce: {  	s14 =	simm.s32 $0x3F80;
	s15 =	simm.s32 $0x7480  }
0xcf: {  	[tilespmem:s15], [sflag:$0x1] =	stream.indirect.gather [hbm4b:s5+s25], $0x1, s14, s25, $0xb8;
	[tilespmem:$0xA000] =	vst v63  }
0xd0: {  	s16 =	simm.s32 $0x4000;
	s17 =	simm.s32 $0x7500  }
0xd1: {  	[tilespmem:s17], [sflag:$0x1] =	stream.indirect.gather [hbm4b:s5+s25], $0x1, s16, s25, $0xb8;
	[tilespmem:$0xA000] =	vst v63  }
0xd2: {  	s18 =	simm.s32 $0x4080;
	s19 =	simm.s32 $0x7600  }
0xd3: {  	[tilespmem:s19], [sflag:$0x1] =	stream.indirect.gather [hbm4b:s5+s25], $0x1, s18, s25, $0xb8;
	[tilespmem:$0xA000] =	vst v63  }
0xd4: {  	s20 =	simm.s32 $0x4100;
	s21 =	simm.s32 $0x7680  }
0xd5: {  	[tilespmem:s21], [sflag:$0x1] =	stream.indirect.gather [hbm4b:s5+s25], $0x1, s20, s25, $0xb8;
	[tilespmem:$0xA000] =	vst v63  }
0xd6: {  	s22 =	simm.s32 $0x4180;
	s23 =	simm.s32 $0x7700  }
0xd7: {  	[tilespmem:s23], [sflag:$0x1] =	stream.indirect.gather [hbm4b:s5+s25], $0x1, s22, s25, $0xb8;
	[tilespmem:$0xA000] =	vst v63  }
0xd8: {  	s28 =	simm.s32 $0x4200;
	s31 =	simm.s32 $0x7800  }
0xd9: {  	[tilespmem:s31], [sflag:$0x1] =	stream.indirect.gather [hbm4b:s5+s25], $0x1, s28, s25, $0xb8;
	[tilespmem:$0xA000] =	vst v63  }
0xda: {  	s2 =	simm.s32 $0x4280;
	s3 =	simm.s32 $0x7880  }
0xdb: {  	[tilespmem:s3], [sflag:$0x1] =	stream.indirect.gather [hbm4b:s5+s25], $0x1, s2, s25, $0xb8;
	[tilespmem:$0xA000] =	vst v63  }
0xdc: {  	s6 =	simm.s32 $0x4300;
	s7 =	simm.s32 $0x7900  }
0xdd: {  	[tilespmem:s7], [sflag:$0x1] =	stream.indirect.gather [hbm4b:s5+s25], $0x1, s6, s25, $0xb8;
	[tilespmem:$0xA000] =	vst v63  }
0xde: {  	s8 =	simm.s32 $0x4380;
	s9 =	simm.s32 $0x7A00  }
0xdf: {  	[tilespmem:s9], [sflag:$0x1] =	stream.indirect.gather [hbm4b:s5+s25], $0x1, s8, s25, $0xb8;
	[tilespmem:$0xA000] =	vst v63  }
0xe0: {  	s10 =	simm.s32 $0x4400;
	s11 =	simm.s32 $0x7A80  }
0xe1: {  	[tilespmem:s11], [sflag:$0x1] =	stream.indirect.gather [hbm4b:s5+s25], $0x1, s10, s25, $0xb8;
	[tilespmem:$0xA000] =	vst v63  }
0xe2: {  	s12 =	simm.s32 $0x4480;
	s13 =	simm.s32 $0x7B00  }
0xe3: {  	[tilespmem:s13], [sflag:$0x1] =	stream.indirect.gather [hbm4b:s5+s25], $0x1, s12, s25, $0xb8;
	[tilespmem:$0xA000] =	vst v63  }
0xe4: {  	s14 =	simm.s32 $0x4500;
	s15 =	simm.s32 $0x7C00  }
0xe5: {  	[tilespmem:s15], [sflag:$0x1] =	stream.indirect.gather [hbm4b:s5+s25], $0x1, s14, s25, $0xb8;
	[tilespmem:$0xA000] =	vst v63  }
0xe6: {  	s16 =	simm.s32 $0x4580;
	s17 =	simm.s32 $0x7C80  }
0xe7: {  	[tilespmem:s17], [sflag:$0x1] =	stream.indirect.gather [hbm4b:s5+s25], $0x1, s16, s25, $0xb8;
	[tilespmem:$0xA000] =	vst v63  }
0xe8: {  	s18 =	simm.s32 $0x4600;
	s19 =	simm.s32 $0x7D00  }
0xe9: {  	[tilespmem:s19], [sflag:$0x1] =	stream.indirect.gather [hbm4b:s5+s25], $0x1, s18, s25, $0xb8;
	[tilespmem:$0xA000] =	vst v63  }
0xea: {  	s20 =	simm.s32 $0x4680;
	s21 =	simm.s32 $0x7E00  }
0xeb: {  	[tilespmem:s21], [sflag:$0x1] =	stream.indirect.gather [hbm4b:s5+s25], $0x1, s20, s25, $0xb8;
	[tilespmem:$0xA000] =	vst v63  }
.Ltmp3:
0xec: {  	_ = 	snop;
	(pc) =	sbr.rel .LBB2_4-.Ltmp3, $4  }
0xed: {  	s22 =	simm.s32 $0x4700;
	s23 =	simm.s32 $0x7E80  }
0xee: {  	[tilespmem:s23], [sflag:$0x1] =	stream.indirect.gather [hbm4b:s5+s25], $0x1, s22, s25, $0xb8;
	[tilespmem:$0xA000] =	vst v63  }
0xef: {  	s30 =	simm.s32 $0x0;
	s28 =	simm.s32 $0x4780;
	s31 =	simm.s32 $0x7F00  }
0xf0: {  	[tilespmem:s31], [sflag:$0x1] =	stream.indirect.gather [hbm4b:s5+s25], $0x1, s28, s25, $0xb8;
	[tilespmem:$0xA000] =	vst v63  }
.LBB2_10:
0xf1: {  	_ =	swait.ge [sflag:s26], $0x2000  }
0xf2: {  	[sflag:s26] =	ssyncset.done $0x0  }
0xf3: {  	[sflag:s26] =	ssyncadd.s32 $0xFFFFE000  }
.LBB2_11:
0xf4: {  	s30 =	sadd.s32 $0x1, s30  }
0xf5: {  	s0 =	rddreg [dreg:$0x6];
	_ =	swait.ge [sflag:s29], $0x1800;
	p0 =	sne.s32 s30, $0x10  }
.Ltmp4:
0xf6: {  	s0 =	sor.u32 s31, s0;
	[sflag:s29] =	ssyncset.done $0x0;
	(pc) =	sbr.rel @!p0 .LBB2_12-.Ltmp4, $4  }
0xf7: {  	s0 =	sshrl.u32 s0, $0x1;
	s1 =	rddreg [dreg:$0x4]  }
0xf8: {  	s2 =	simm.s32 $0x8000;
	s0 =	sadd.s32 s0, s1  }
0xf9: {  	s31 =	simm.s32 $0x0;
	[sflag:s29] =	ssyncadd.s32 $0xFFFFE800;
	s0 =	sadd.s32 $0x400, s0  }
0xfa: {  	[hbm4b:s0+s31] =	stream.linear.scatter [tilespmem:s2], [sflag:$0x5], $0x2000, $0x38;
	[tilespmem:$0xA000] =	vst v63  }
.LBB2_4:
0xfb: {  	s31 =	sshll.u32 s30, $0xC;
	p0 =	seq.s32 s30, $0xF;
	s0 =	rddreg [dreg:$0xd]  }
0xfc: {  	s0 =	sadd.s32 @!p0 s31, s0  }
0xfd: {  	s1 =	rddreg [dreg:$0x0];
	s0 =	sshrl.u32 @!p0 s0, $0x3  }
0xfe: {  	s2 =	simm.s32 @!p0 $0x0;
	s1 =	sadd.s32 @!p0 s1, s0  }
0xff: {  	[tilespmem:s2], [sflag:$0x3] =	stream.linear.gather @!p0 [hbm4b:s1+s2], $0x800, $0x38;
	[tilespmem:$0xA000] =	vst v63  }
0x100: {  	s1 =	rddreg [dreg:$0x1]  }
0x101: {  	s3 =	simm.s32 @!p0 $0x800;
	s1 =	sadd.s32 @!p0 s1, s0  }
0x102: {  	[tilespmem:s3], [sflag:$0x3] =	stream.linear.gather @!p0 [hbm4b:s1+s2], $0x800, $0x38;
	[tilespmem:$0xA000] =	vst v63  }
0x103: {  	s1 =	rddreg [dreg:$0x2]  }
0x104: {  	s0 =	sadd.s32 @!p0 s1, s0;
	s1 =	simm.s32 @!p0 $0x1000  }
0x105: {  	[tilespmem:s1], [sflag:$0x3] =	stream.linear.gather @!p0 [hbm4b:s0+s2], $0x800, $0x38;
	[tilespmem:$0xA000] =	vst v63  }
0x106: {  	_ =	swait.ge [sflag:s4], $0x800  }
0x107: {  	[sflag:s4] =	ssyncset.done $0x0  }
0x108: {  	[sflag:s4] =	ssyncadd.s32 $0xFFFFF800  }
0x109: {  	_ =	swait.ge [sflag:s4], $0x800  }
0x10a: {  	[sflag:s4] =	ssyncset.done $0x0  }
0x10b: {  	[sflag:s4] =	ssyncadd.s32 $0xFFFFF800  }
0x10c: {  	_ =	swait.ge [sflag:s4], $0x800  }
0x10d: {  	[sflag:s4] =	ssyncset.done $0x0  }
0x10e: {  	s20 =	simm.s32 $0x1820;
	[sflag:s4] =	ssyncadd.s32 $0xFFFFF800  }
0x10f: {  	s21 =	simm.s32 $0x2820;
	v0 =	vld [tilespmem:s20+$0xFFFFFFE0]  }
0x110: {  	s22 =	simm.s32 $0x2020;
	v1 =	vld [tilespmem:s21+$0xFFFFFFE0]  }
0x111: {  	v2 =	vld [tilespmem:s22+$0xFFFFFFE0]  }
0x112: {  	v3 =	vld [tilespmem:s22+$0x10]  }
0x113: {  	v4 =	vld [tilespmem:s21+$0x10]  }
0x114: {  	v5 =	vld [tilespmem:s21+$0xFFFFFFF0]  }
0x115: {  	v6 =	vld [tilespmem:s21+$0x0]  }
0x116: {  	v7 =	vld [tilespmem:s22+$0xFFFFFFF0]  }
0x117: {  	v9 =	vld [tilespmem:s20+$0xFFFFFFF0]  }
0x118: {  	v10 =	vld [tilespmem:s22+$0x0];
	v0 =	vmul.f32 $1.000000000e+02, v0;
	v1 =	vmul.f32 $1.024000000e+03, v1  }
0x119: {  	v8 =	vld [tilespmem:s20+$0x10];
	v2 =	vmul.f32 $1.024000000e+03, v2;
	v3 =	vmul.f32 $1.024000000e+03, v3  }
0x11a: {  	v4 =	vmul.f32 $1.024000000e+03, v4;
	v5 =	vmul.f32 $1.024000000e+03, v5  }
0x11b: {  	v6 =	vmul.f32 $1.024000000e+03, v6;
	v7 =	vmul.f32 $1.024000000e+03, v7;
	v0 =	vadd.f32 $8.388608000e+06, v0  }
0x11c: {  	v9 =	vmul.f32 $1.000000000e+02, v9;
	v2 =	vadd.f32 $8.388608000e+06, v2;
	v3 =	vadd.f32 $8.388608000e+06, v3  }
0x11d: {  	v10 =	vmul.f32 $1.024000000e+03, v10;
	v4 =	vadd.f32 $8.388608000e+06, v4;
	v7 =	vadd.f32 $8.388608000e+06, v7  }
0x11e: {  	v8 =	vmul.f32 $1.000000000e+02, v8;
	v1 =	vadd.f32 $8.388608000e+06, v1;
	v5 =	vadd.f32 $8.388608000e+06, v5  }
0x11f: {  	v9 =	vadd.f32 $8.388608000e+06, v9;
	v10 =	vadd.f32 $8.388608000e+06, v10  }
0x120: {  	v8 =	vadd.f32 $8.388608000e+06, v8;
	v6 =	vadd.f32 $8.388608000e+06, v6  }
0x121: {  	v0 =	vadd.s32 $0xB5000000, v0;
	v2 =	vadd.s32 $0xB5000000, v2;
	v4 =	vadd.s32 $0xB5000000, v4  }
0x122: {  	v7 =	vadd.s32 $0xB5000000, v7;
	v3 =	vadd.s32 $0xB5000000, v3;
	v1 =	vadd.s32 $0xB5000000, v1  }
0x123: {  	v9 =	vadd.s32 $0xB5000000, v9;
	v10 =	vadd.s32 $0xB5000000, v10;
	v8 =	vadd.s32 $0xB5000000, v8  }
0x124: {  	v5 =	vadd.s32 $0xB5000000, v5;
	v6 =	vadd.s32 $0xB5000000, v6;
	vm0 =	vlt.s32 v0, $0x63  }
0x125: {  	vm8 =	vlt.s32 v2, $0x3FF;
	vm1 =	vlt.s32 v4, $0x3FF;
	vm9 =	vlt.s32 v1, $0x3FF  }
0x126: {  	vm2 =	vlt.s32 v10, $0x3FF;
	vm3 =	vlt.s32 v9, $0x63;
	v0 =	vnsel vm0, $0x63, v0  }
0x127: {  	vm10 =	vlt.s32 v3, $0x3FF;
	vm11 =	vlt.s32 v5, $0x3FF;
	v11 =	vmul.u32 $0xC00, v0;
	v0 =	vld [tilespmem:s20+$0x0]  }
0x128: {  	vm12 =	vlt.s32 v8, $0x63;
	vm13 =	vlt.s32 v6, $0x3FF;
	vm14 =	vlt.s32 v7, $0x3FF  }
0x129: {  	v4 =	vnsel vm1, $0x3FF, v4;
	v10 =	vnsel vm2, $0x3FF, v10;
	v9 =	vnsel vm3, $0x63, v9  }
0x12a: {  	v2 =	vnsel vm8, $0x3FF, v2;
	v14 =	vnsel vm10, $0x3FF, v3;
	v15 =	vnsel vm9, $0x3FF, v1  }
0x12b: {  	v1 =	vnsel vm11, $0x3FF, v5;
	v6 =	vnsel vm13, $0x3FF, v6;
	v13 =	vshll.u32 v10, $0x7  }
0x12c: {  	v16 =	vshll.u32 v15, $0x3;
	v3 =	vand.u32 $0x7F, v4;
	v12 =	vmul.f32 $1.000000000e+02, v0  }
0x12d: {  	v17 =	vshll.u32 v2, $0x7;
	v5 =	vand.u32 $0x7F, v15;
	v9 =	vmul.u32 $0xC00, v9  }
0x12e: {  	v15 =	vshll.u32 v14, $0x7;
	v18 =	vshll.u32 v6, $0x3;
	v12 =	vadd.f32 $8.388608000e+06, v12  }
0x12f: {  	v6 =	vand.u32 $0x7F, v6;
	v13 =	vand.u32 $0x380, v13;
	v2 =	vadd.s32 v2, v11  }
0x130: {  	v11 =	vnsel vm14, $0x3FF, v7;
	v7 =	vnsel vm12, $0x63, v8;
	v12 =	vadd.s32 $0xB5000000, v12  }
0x131: {  	v6 =	vor.u32 v13, v6;
	v8 =	vshll.u32 v11, $0x7;
	vm15 =	vlt.s32 v12, $0x63  }
0x132: {  	v63 =	vmul.u32 $0xC00, v7;
	v2 =	vshll.u32 v2, $0xA;
	v12 =	vnsel vm15, $0x63, v12  }
0x133: {  	v7 =	vand.u32 $0x380, v8;
	v8 =	vand.u32 $0x380, v15;
	v12 =	vmul.u32 $0xC00, v12  }
0x134: {  	s23 =	simm.s32 $0x0;
	s19 =	simm.s32 $0x0;
	s9 =	simm.s32 $0x30;
	v15 =	vadd.s32 v11, v9;
	v11 =	vand.u32 $0x380, v17;
	v0 =	vshll.u32 v4, $0x3  }
0x135: {  	s10 =	simm.s32 $0x10;
	s28 =	simm.s32 $0x20;
	s0 =	smul.u32 $0x600, s23;
	v4 =	vand.u32 $0xFFFFFC00, v16;
	v10 =	vadd.s32 v10, v12;
	v12 =	vand.u32 $0xFFFFFC00, v18  }
0x136: {  	s12 =	simm.s32 $0x2860;
	s13 =	simm.s32 $0x2060;
	s14 =	simm.s32 $0x1860;
	v9 =	vshll.u32 v10, $0xA;
	v10 =	vadd.s32 v14, v63;
	v13 =	vor.u32 v12, v6  }
0x137: {  	s18 =	simm.s32 $0x0;
	s1 =	sand.u32 $0x60, s28;
	s11 =	sshra.s32 s0, $0x2;
	v14 =	vand.u32 $0xFFFFE000, v9;
	v9 =	vand.u32 $0xFFFFE000, v2;
	v2 =	vshll.u32 v15, $0xA  }
0x138: {  	s17 =	sadd.s32 $0x4880, s11;
	s0 =	sadd.s32 $0x4900, s11;
	s21 =	simm.s32 $0x0;
	v12 =	vand.u32 $0x7F, v1;
	v6 =	vand.u32 $0xFFFFE000, v2;
	v2 =	vor.u32 v14, v13  }
.LBB2_5:
0x139: {  	s19 =	sadd.s32 $0x4, s19;
	v13 =	vld [tilespmem:s14+$0xFFFFFFE0];
	v5 =	vor.u32 v11, v5;
	v1 =	vshll.u32 v1, $0x3;
	v7 =	vor.u32 v7, v12;
	s6 =	sand.u32 $0x70, s9;
	s18 =	sadd.s32 $0x40, s18  }
0x13a: {  	v10 =	vshll.u32 v10, $0xA;
	v0 =	vand.u32 $0xFFFFFC00, v0;
	v3 =	vor.u32 v8, v3;
	v11 =	vld [tilespmem:s12+$0xFFFFFFE0];
	s2 =	sshrl.u32 s19, $0x3;
	s9 =	sadd.s32 $0x30, s18;
	p1 =	slt.u32 s19, $0x7C  }
0x13b: {  	s15 =	sadd.s32 $0x4800, s11;
	v4 =	vor.u32 v4, v5;
	v5 =	vand.u32 $0xFFFFE000, v10;
	v0 =	vor.u32 v0, v3;
	v8 =	vld [tilespmem:s13+$0xFFFFFFE0];
	s8 =	smul.u32 $0x600, s2;
	s2 =	sand.u32 $0x40, s21  }
0x13c: {  	v4 =	vor.u32 v9, v4;
	v0 =	vor.u32 v5, v0;
	v3 =	vld [tilespmem:s13+$0x10];
	s16 =	sor.u32 s2, s15;
	s3 =	sor.u32 s2, s17;
	s2 =	sor.u32 s2, s0  }
0x13d: {  	v9 =	vadd.s32 $0x100000, v4;
	v10 =	vadd.s32 $0x100000, v0;
	v12 =	vadd.s32 $0x200000, v0;
	s11 =	sshra.s32 s8, $0x2;
	s8 =	sadd.s32 $0x10, s18;
	v5 =	vld [tilespmem:s12+$0x10];
	[tilespmem:s16+$0x0] =	vst v4;
	s16 =	sor.u32 s6, s15  }
0x13e: {  	v1 =	vand.u32 $0xFFFFFC00, v1;
	v4 =	vadd.s32 $0x200000, v4;
	v13 =	vmul.f32 $1.000000000e+02, v13;
	s28 =	sadd.s32 $0x4880, s11;
	s20 =	sadd.s32 $0x4900, s11;
	v14 =	vld [tilespmem:s12+$0xFFFFFFF0];
	[tilespmem:s16+$0x0] =	vst v0;
	s16 =	sor.u32 s6, s17  }
0x13f: {  	s10 =	sand.u32 $0x50, s10;
	s22 =	sadd.s32 $0x20, s18;
	v1 =	vor.u32 v1, v7;
	v7 =	vadd.s32 $0x100000, v2;
	s6 =	sor.u32 s6, s0;
	v0 =	vmul.f32 $1.024000000e+03, v11;
	v11 =	vld [tilespmem:s12+$0x0];
	[tilespmem:s16+$0x0] =	vst v10  }
0x140: {  	s7 =	sor.u32 s10, s17;
	s23 =	sor.u32 s10, s0;
	v1 =	vor.u32 v6, v1;
	s16 =	sor.u32 s10, s15;
	v10 =	vadd.f32 $8.388608000e+06, v13;
	v8 =	vmul.f32 $1.024000000e+03, v8;
	v13 =	vld [tilespmem:s13+$0xFFFFFFF0];
	[tilespmem:s6+$0x0] =	vst v12  }
0x141: {  	v15 =	vadd.s32 $0x200000, v2;
	s21 =	smov.u32 s18;
	s10 =	smov.u32 s8;
	v12 =	vadd.s32 $0x200000, v1;
	s6 =	sor.u32 s1, s15;
	v6 =	vld [tilespmem:s14+$0x10];
	v3 =	vmul.f32 $1.024000000e+03, v3;
	[tilespmem:s16+$0x0] =	vst v1  }
0x142: {  	v1 =	vadd.s32 $0x100000, v1;
	v10 =	vadd.s32 $0xB5000000, v10;
	v16 =	vld [tilespmem:s14+$0xFFFFFFF0];
	v5 =	vmul.f32 $1.024000000e+03, v5;
	[tilespmem:s6+$0x0] =	vst v2;
	s6 =	sor.u32 s1, s17;
	s17 =	smov.u32 s28  }
0x143: {  	v2 =	vadd.f32 $8.388608000e+06, v8;
	s1 =	sor.u32 s1, s0;
	s0 =	smov.u32 s20;
	vm0 =	vlt.s32 v10, $0x63;
	v8 =	vmul.f32 $1.024000000e+03, v14;
	v14 =	vld [tilespmem:s13+$0x0];
	[tilespmem:s6+$0x0] =	vst v7  }
0x144: {  	v3 =	vadd.f32 $8.388608000e+06, v3;
	v7 =	vmul.f32 $1.024000000e+03, v11;
	v5 =	vadd.f32 $8.388608000e+06, v5;
	[tilespmem:s1+$0x0] =	vst v15  }
0x145: {  	v10 =	vnsel vm0, $0x63, v10;
	v2 =	vadd.s32 $0xB5000000, v2;
	v11 =	vmul.f32 $1.024000000e+03, v13;
	[tilespmem:s7+$0x0] =	vst v1  }
0x146: {  	vm0 =	vlt.s32 v2, $0x3FF;
	v10 =	vmul.u32 $0xC00, v10;
	v1 =	vld [tilespmem:s14+$0x0];
	v6 =	vmul.f32 $1.000000000e+02, v6;
	[tilespmem:s23+$0x0] =	vst v12  }
0x147: {  	v5 =	vadd.s32 $0xB5000000, v5;
	v12 =	vmul.f32 $1.000000000e+02, v16;
	v11 =	vadd.f32 $8.388608000e+06, v11;
	[tilespmem:s3+$0x0] =	vst v9  }
0x148: {  	v0 =	vadd.f32 $8.388608000e+06, v0;
	v8 =	vadd.f32 $8.388608000e+06, v8;
	v9 =	vmul.f32 $1.024000000e+03, v14;
	[tilespmem:s2+$0x0] =	vst v4  }
0x149: {  	v3 =	vadd.s32 $0xB5000000, v3;
	v4 =	vadd.f32 $8.388608000e+06, v12;
	v11 =	vadd.s32 $0xB5000000, v11  }
0x14a: {  	vm1 =	vlt.s32 v5, $0x3FF;
	v12 =	vadd.s32 $0xB5000000, v0;
	v0 =	vadd.f32 $8.388608000e+06, v9  }
0x14b: {  	v5 =	vnsel vm1, $0x3FF, v5;
	v4 =	vadd.s32 $0xB5000000, v4;
	v1 =	vmul.f32 $1.000000000e+02, v1  }
0x14c: {  	vm1 =	vlt.s32 v12, $0x3FF;
	v9 =	vadd.s32 $0xB5000000, v0;
	v0 =	vshll.u32 v5, $0x3  }
0x14d: {  	v13 =	vadd.f32 $8.388608000e+06, v1;
	vm2 =	vlt.s32 v9, $0x3FF;
	v1 =	vadd.f32 $8.388608000e+06, v6  }
0x14e: {  	vm3 =	vlt.s32 v4, $0x63;
	v6 =	vnsel vm2, $0x3FF, v9;
	vm2 =	vlt.s32 v3, $0x3FF  }
0x14f: {  	v9 =	vnsel vm3, $0x63, v4;
	v4 =	vshll.u32 v6, $0x7;
	v14 =	vadd.s32 $0xB5000000, v1  }
0x150: {  	v2 =	vnsel vm0, $0x3FF, v2;
	v1 =	vadd.s32 $0xB5000000, v8;
	v15 =	vand.u32 $0x380, v4  }
0x151: {  	v16 =	vnsel vm2, $0x3FF, v3;
	vm0 =	vlt.s32 v1, $0x3FF;
	v4 =	vadd.f32 $8.388608000e+06, v7  }
0x152: {  	v7 =	vnsel vm1, $0x3FF, v12;
	v1 =	vnsel vm0, $0x3FF, v1;
	vm0 =	vlt.s32 v14, $0x63  }
0x153: {  	v3 =	vand.u32 $0x7F, v5;
	v12 =	vadd.s32 $0xB5000000, v13;
	v8 =	vshll.u32 v7, $0x3  }
0x154: {  	v13 =	vshll.u32 v2, $0x7;
	v5 =	vand.u32 $0x7F, v7;
	v17 =	vadd.s32 $0xB5000000, v4  }
0x155: {  	v9 =	vmul.u32 $0xC00, v9;
	v4 =	vand.u32 $0xFFFFFC00, v8;
	vm1 =	vlt.s32 v17, $0x3FF  }
0x156: {  	vm2 =	vlt.s32 v11, $0x3FF;
	vm3 =	vlt.s32 v12, $0x63;
	v8 =	vshll.u32 v16, $0x7  }
0x157: {  	v2 =	vadd.s32 v2, v10;
	v10 =	vnsel vm2, $0x3FF, v11;
	v7 =	vnsel vm0, $0x63, v14  }
0x158: {  	v11 =	vshll.u32 v10, $0x7;
	v12 =	vnsel vm3, $0x63, v12;
	v14 =	vmul.u32 $0xC00, v7  }
0x159: {  	v7 =	vand.u32 $0x380, v11;
	v12 =	vmul.u32 $0xC00, v12;
	v11 =	vnsel vm1, $0x3FF, v17  }
0x15a: {  	v2 =	vshll.u32 v2, $0xA;
	v8 =	vand.u32 $0x380, v8;
	v17 =	vshll.u32 v11, $0x3  }
.Ltmp5:
0x15b: {  	v6 =	vadd.s32 v6, v12;
	v12 =	vand.u32 $0xFFFFFC00, v17;
	v17 =	vand.u32 $0x7F, v11;
	(pc) =	sbr.rel @p1 .LBB2_5-.Ltmp5, $4  }
0x15c: {  	v18 =	vadd.s32 v10, v9;
	v10 =	vadd.s32 v16, v14;
	v6 =	vshll.u32 v6, $0xA  }
0x15d: {  	v11 =	vand.u32 $0x380, v13;
	v13 =	vand.u32 $0xFFFFE000, v6;
	v6 =	vor.u32 v15, v17  }
0x15e: {  	s1 =	sand.u32 $0x60, s22;
	v9 =	vand.u32 $0xFFFFE000, v2;
	v2 =	vshll.u32 v18, $0xA;
	v14 =	vor.u32 v12, v6  }
0x15f: {  	s12 =	sadd.s32 $0x40, s12;
	s13 =	sadd.s32 $0x40, s13;
	s14 =	sadd.s32 $0x40, s14;
	v6 =	vand.u32 $0xFFFFE000, v2;
	v12 =	vand.u32 $0x7F, v1;
	v2 =	vor.u32 v13, v14  }
0x160: {  	s2 =	sand.u32 $0x40, s21;
	s3 =	sadd.s32 $0x4800, s11  }
0x161: {  	v5 =	vor.u32 v11, v5;
	v10 =	vshll.u32 v10, $0xA;
	s6 =	sand.u32 $0x70, s9;
	s22 =	sand.u32 $0x50, s10;
	s7 =	sor.u32 s2, s3  }
0x162: {  	v0 =	vand.u32 $0xFFFFFC00, v0;
	v3 =	vor.u32 v8, v3;
	v4 =	vor.u32 v4, v5;
	s20 =	sor.u32 s6, s3;
	s23 =	sor.u32 s22, s3;
	s3 =	sor.u32 s1, s3  }
0x163: {  	v55 =	vand.u32 $0xFFFFE000, v10;
	v0 =	vor.u32 v0, v3;
	v56 =	vor.u32 v9, v4;
	[tilespmem:s3+$0x0] =	vst v2  }
0x164: {  	v1 =	vshll.u32 v1, $0x3;
	v0 =	vor.u32 v55, v0;
	[tilespmem:s7+$0x0] =	vst v56  }
0x165: {  	v57 =	vor.u32 v7, v12;
	v58 =	vadd.s32 $0x100000, v2;
	s28 =	sor.u32 s1, s17;
	v1 =	vand.u32 $0xFFFFFC00, v1;
	[tilespmem:s20+$0x0] =	vst v0  }
0x166: {  	s21 =	sor.u32 s6, s17;
	v1 =	vor.u32 v1, v57;
	v5 =	vadd.s32 $0x100000, v0;
	[tilespmem:s28+$0x0] =	vst v58  }
0x167: {  	v1 =	vor.u32 v6, v1;
	[tilespmem:s21+$0x0] =	vst v5  }
0x168: {  	v59 =	vadd.s32 $0x200000, v2;
	s3 =	sor.u32 s1, s0;
	[tilespmem:s23+$0x0] =	vst v1  }
0x169: {  	s9 =	sor.u32 s2, s17;
	v62 =	vadd.s32 $0x100000, v56;
	[tilespmem:s3+$0x0] =	vst v59  }
0x16a: {  	s6 =	sor.u32 s6, s0;
	v0 =	vadd.s32 $0x200000, v0;
	[tilespmem:s9+$0x0] =	vst v62  }
0x16b: {  	s10 =	sor.u32 s2, s0;
	v63 =	vadd.s32 $0x200000, v56;
	[tilespmem:s6+$0x0] =	vst v0  }
0x16c: {  	v60 =	vadd.s32 $0x100000, v1;
	s6 =	sor.u32 s22, s17;
	[tilespmem:s10+$0x0] =	vst v63  }
0x16d: {  	p1 =	seq.s32 s30, $0x0;
	s8 =	sor.u32 s22, s0;
	v61 =	vadd.s32 $0x200000, v1;
	[tilespmem:s6+$0x0] =	vst v60  }
0x16e: {  	s0 =	simm.s32 @!p1 $0x5;
	[tilespmem:s8+$0x0] =	vst v61  }
0x16f: {  	_ =	swait.ge @!p1 [sflag:s0], $0x2000  }
0x170: {  	[sflag:s0] =	ssyncset.done @!p1 $0x0  }
0x171: {  	s11 =	simm.s32 $0x4800;
	s12 =	simm.s32 $0x8000;
	[sflag:s0] =	ssyncadd.s32 @!p1 $0xFFFFE000  }
0x172: {  	[tilespmem:s12], [sflag:$0x2] =	stream.indirect.gather [hbm4b:s5+s25], $0x1, s11, s25, $0xb8;
	[tilespmem:$0xA000] =	vst v63  }
0x173: {  	s13 =	simm.s32 $0x4880;
	s14 =	simm.s32 $0x8080  }
0x174: {  	[tilespmem:s14], [sflag:$0x2] =	stream.indirect.gather [hbm4b:s5+s25], $0x1, s13, s25, $0xb8;
	[tilespmem:$0xA000] =	vst v63  }
0x175: {  	s15 =	simm.s32 $0x4900;
	s16 =	simm.s32 $0x8100  }
0x176: {  	[tilespmem:s16], [sflag:$0x2] =	stream.indirect.gather [hbm4b:s5+s25], $0x1, s15, s25, $0xb8;
	[tilespmem:$0xA000] =	vst v63  }
0x177: {  	s18 =	simm.s32 $0x8200;
	s17 =	simm.s32 $0x4980  }
0x178: {  	[tilespmem:s18], [sflag:$0x2] =	stream.indirect.gather [hbm4b:s5+s25], $0x1, s17, s25, $0xb8;
	[tilespmem:$0xA000] =	vst v63  }
0x179: {  	s19 =	simm.s32 $0x4A00;
	s20 =	simm.s32 $0x8280  }
0x17a: {  	[tilespmem:s20], [sflag:$0x2] =	stream.indirect.gather [hbm4b:s5+s25], $0x1, s19, s25, $0xb8;
	[tilespmem:$0xA000] =	vst v63  }
0x17b: {  	s21 =	simm.s32 $0x4A80;
	s22 =	simm.s32 $0x8300  }
0x17c: {  	[tilespmem:s22], [sflag:$0x2] =	stream.indirect.gather [hbm4b:s5+s25], $0x1, s21, s25, $0xb8;
	[tilespmem:$0xA000] =	vst v63  }
0x17d: {  	s28 =	simm.s32 $0x8400;
	s23 =	simm.s32 $0x4B00  }
0x17e: {  	[tilespmem:s28], [sflag:$0x2] =	stream.indirect.gather [hbm4b:s5+s25], $0x1, s23, s25, $0xb8;
	[tilespmem:$0xA000] =	vst v63  }
0x17f: {  	s2 =	simm.s32 $0x8480;
	s1 =	simm.s32 $0x4B80  }
0x180: {  	[tilespmem:s2], [sflag:$0x2] =	stream.indirect.gather [hbm4b:s5+s25], $0x1, s1, s25, $0xb8;
	[tilespmem:$0xA000] =	vst v63  }
0x181: {  	s3 =	simm.s32 $0x4C00;
	s6 =	simm.s32 $0x8500  }
0x182: {  	[tilespmem:s6], [sflag:$0x2] =	stream.indirect.gather [hbm4b:s5+s25], $0x1, s3, s25, $0xb8;
	[tilespmem:$0xA000] =	vst v63  }
0x183: {  	s7 =	simm.s32 $0x4C80;
	s8 =	simm.s32 $0x8600  }
0x184: {  	[tilespmem:s8], [sflag:$0x2] =	stream.indirect.gather [hbm4b:s5+s25], $0x1, s7, s25, $0xb8;
	[tilespmem:$0xA000] =	vst v63  }
0x185: {  	s9 =	simm.s32 $0x4D00;
	s10 =	simm.s32 $0x8680  }
0x186: {  	[tilespmem:s10], [sflag:$0x2] =	stream.indirect.gather [hbm4b:s5+s25], $0x1, s9, s25, $0xb8;
	[tilespmem:$0xA000] =	vst v63  }
0x187: {  	s11 =	simm.s32 $0x4D80;
	s12 =	simm.s32 $0x8700  }
0x188: {  	[tilespmem:s12], [sflag:$0x2] =	stream.indirect.gather [hbm4b:s5+s25], $0x1, s11, s25, $0xb8;
	[tilespmem:$0xA000] =	vst v63  }
0x189: {  	s13 =	simm.s32 $0x4E00;
	s14 =	simm.s32 $0x8800  }
0x18a: {  	[tilespmem:s14], [sflag:$0x2] =	stream.indirect.gather [hbm4b:s5+s25], $0x1, s13, s25, $0xb8;
	[tilespmem:$0xA000] =	vst v63  }
0x18b: {  	s15 =	simm.s32 $0x4E80;
	s16 =	simm.s32 $0x8880  }
0x18c: {  	[tilespmem:s16], [sflag:$0x2] =	stream.indirect.gather [hbm4b:s5+s25], $0x1, s15, s25, $0xb8;
	[tilespmem:$0xA000] =	vst v63  }
0x18d: {  	s17 =	simm.s32 $0x4F00;
	s18 =	simm.s32 $0x8900  }
0x18e: {  	[tilespmem:s18], [sflag:$0x2] =	stream.indirect.gather [hbm4b:s5+s25], $0x1, s17, s25, $0xb8;
	[tilespmem:$0xA000] =	vst v63  }
0x18f: {  	s19 =	simm.s32 $0x4F80;
	s20 =	simm.s32 $0x8A00  }
0x190: {  	[tilespmem:s20], [sflag:$0x2] =	stream.indirect.gather [hbm4b:s5+s25], $0x1, s19, s25, $0xb8;
	[tilespmem:$0xA000] =	vst v63  }
0x191: {  	s21 =	simm.s32 $0x5000;
	s22 =	simm.s32 $0x8A80  }
0x192: {  	[tilespmem:s22], [sflag:$0x2] =	stream.indirect.gather [hbm4b:s5+s25], $0x1, s21, s25, $0xb8;
	[tilespmem:$0xA000] =	vst v63  }
0x193: {  	s23 =	simm.s32 $0x5080;
	s28 =	simm.s32 $0x8B00  }
0x194: {  	[tilespmem:s28], [sflag:$0x2] =	stream.indirect.gather [hbm4b:s5+s25], $0x1, s23, s25, $0xb8;
	[tilespmem:$0xA000] =	vst v63  }
0x195: {  	s1 =	simm.s32 $0x5100;
	s2 =	simm.s32 $0x8C00  }
0x196: {  	[tilespmem:s2], [sflag:$0x2] =	stream.indirect.gather [hbm4b:s5+s25], $0x1, s1, s25, $0xb8;
	[tilespmem:$0xA000] =	vst v63  }
0x197: {  	s3 =	simm.s32 $0x5180;
	s6 =	simm.s32 $0x8C80  }
0x198: {  	[tilespmem:s6], [sflag:$0x2] =	stream.indirect.gather [hbm4b:s5+s25], $0x1, s3, s25, $0xb8;
	[tilespmem:$0xA000] =	vst v63  }
0x199: {  	s7 =	simm.s32 $0x5200;
	s8 =	simm.s32 $0x8D00  }
0x19a: {  	[tilespmem:s8], [sflag:$0x2] =	stream.indirect.gather [hbm4b:s5+s25], $0x1, s7, s25, $0xb8;
	[tilespmem:$0xA000] =	vst v63  }
0x19b: {  	s9 =	simm.s32 $0x5280;
	s10 =	simm.s32 $0x8E00  }
0x19c: {  	[tilespmem:s10], [sflag:$0x2] =	stream.indirect.gather [hbm4b:s5+s25], $0x1, s9, s25, $0xb8;
	[tilespmem:$0xA000] =	vst v63  }
0x19d: {  	s11 =	simm.s32 $0x5300;
	s12 =	simm.s32 $0x8E80  }
0x19e: {  	[tilespmem:s12], [sflag:$0x2] =	stream.indirect.gather [hbm4b:s5+s25], $0x1, s11, s25, $0xb8;
	[tilespmem:$0xA000] =	vst v63  }
0x19f: {  	s13 =	simm.s32 $0x5380;
	s14 =	simm.s32 $0x8F00  }
0x1a0: {  	[tilespmem:s14], [sflag:$0x2] =	stream.indirect.gather [hbm4b:s5+s25], $0x1, s13, s25, $0xb8;
	[tilespmem:$0xA000] =	vst v63  }
0x1a1: {  	s15 =	simm.s32 $0x5400;
	s16 =	simm.s32 $0x9000  }
0x1a2: {  	[tilespmem:s16], [sflag:$0x2] =	stream.indirect.gather [hbm4b:s5+s25], $0x1, s15, s25, $0xb8;
	[tilespmem:$0xA000] =	vst v63  }
0x1a3: {  	s17 =	simm.s32 $0x5480;
	s18 =	simm.s32 $0x9080  }
0x1a4: {  	[tilespmem:s18], [sflag:$0x2] =	stream.indirect.gather [hbm4b:s5+s25], $0x1, s17, s25, $0xb8;
	[tilespmem:$0xA000] =	vst v63  }
0x1a5: {  	s19 =	simm.s32 $0x5500;
	s20 =	simm.s32 $0x9100  }
0x1a6: {  	[tilespmem:s20], [sflag:$0x2] =	stream.indirect.gather [hbm4b:s5+s25], $0x1, s19, s25, $0xb8;
	[tilespmem:$0xA000] =	vst v63  }
0x1a7: {  	s21 =	simm.s32 $0x5580;
	s22 =	simm.s32 $0x9200  }
0x1a8: {  	[tilespmem:s22], [sflag:$0x2] =	stream.indirect.gather [hbm4b:s5+s25], $0x1, s21, s25, $0xb8;
	[tilespmem:$0xA000] =	vst v63  }
0x1a9: {  	s23 =	simm.s32 $0x5600;
	s28 =	simm.s32 $0x9280  }
0x1aa: {  	[tilespmem:s28], [sflag:$0x2] =	stream.indirect.gather [hbm4b:s5+s25], $0x1, s23, s25, $0xb8;
	[tilespmem:$0xA000] =	vst v63  }
0x1ab: {  	s1 =	simm.s32 $0x5680;
	s2 =	simm.s32 $0x9300  }
0x1ac: {  	[tilespmem:s2], [sflag:$0x2] =	stream.indirect.gather [hbm4b:s5+s25], $0x1, s1, s25, $0xb8;
	[tilespmem:$0xA000] =	vst v63  }
0x1ad: {  	s3 =	simm.s32 $0x5700;
	s6 =	simm.s32 $0x9400  }
0x1ae: {  	[tilespmem:s6], [sflag:$0x2] =	stream.indirect.gather [hbm4b:s5+s25], $0x1, s3, s25, $0xb8;
	[tilespmem:$0xA000] =	vst v63  }
0x1af: {  	s7 =	simm.s32 $0x5780;
	s8 =	simm.s32 $0x9480  }
0x1b0: {  	[tilespmem:s8], [sflag:$0x2] =	stream.indirect.gather [hbm4b:s5+s25], $0x1, s7, s25, $0xb8;
	[tilespmem:$0xA000] =	vst v63  }
0x1b1: {  	s9 =	simm.s32 $0x5800;
	s10 =	simm.s32 $0x9500  }
0x1b2: {  	[tilespmem:s10], [sflag:$0x2] =	stream.indirect.gather [hbm4b:s5+s25], $0x1, s9, s25, $0xb8;
	[tilespmem:$0xA000] =	vst v63  }
0x1b3: {  	s11 =	simm.s32 $0x5880;
	s12 =	simm.s32 $0x9600  }
0x1b4: {  	[tilespmem:s12], [sflag:$0x2] =	stream.indirect.gather [hbm4b:s5+s25], $0x1, s11, s25, $0xb8;
	[tilespmem:$0xA000] =	vst v63  }
0x1b5: {  	s13 =	simm.s32 $0x5900;
	s14 =	simm.s32 $0x9680  }
0x1b6: {  	[tilespmem:s14], [sflag:$0x2] =	stream.indirect.gather [hbm4b:s5+s25], $0x1, s13, s25, $0xb8;
	[tilespmem:$0xA000] =	vst v63  }
0x1b7: {  	s15 =	simm.s32 $0x5980;
	s16 =	simm.s32 $0x9700  }
0x1b8: {  	[tilespmem:s16], [sflag:$0x2] =	stream.indirect.gather [hbm4b:s5+s25], $0x1, s15, s25, $0xb8;
	[tilespmem:$0xA000] =	vst v63  }
0x1b9: {  	s17 =	simm.s32 $0x5A00;
	s18 =	simm.s32 $0x9800  }
0x1ba: {  	[tilespmem:s18], [sflag:$0x2] =	stream.indirect.gather [hbm4b:s5+s25], $0x1, s17, s25, $0xb8;
	[tilespmem:$0xA000] =	vst v63  }
0x1bb: {  	s19 =	simm.s32 $0x5A80;
	s20 =	simm.s32 $0x9880  }
0x1bc: {  	[tilespmem:s20], [sflag:$0x2] =	stream.indirect.gather [hbm4b:s5+s25], $0x1, s19, s25, $0xb8;
	[tilespmem:$0xA000] =	vst v63  }
0x1bd: {  	s21 =	simm.s32 $0x5B00;
	s22 =	simm.s32 $0x9900  }
0x1be: {  	[tilespmem:s22], [sflag:$0x2] =	stream.indirect.gather [hbm4b:s5+s25], $0x1, s21, s25, $0xb8;
	[tilespmem:$0xA000] =	vst v63  }
0x1bf: {  	s23 =	simm.s32 $0x5B80;
	s28 =	simm.s32 $0x9A00  }
0x1c0: {  	[tilespmem:s28], [sflag:$0x2] =	stream.indirect.gather [hbm4b:s5+s25], $0x1, s23, s25, $0xb8;
	[tilespmem:$0xA000] =	vst v63  }
0x1c1: {  	s1 =	simm.s32 $0x5C00;
	s2 =	simm.s32 $0x9A80  }
0x1c2: {  	[tilespmem:s2], [sflag:$0x2] =	stream.indirect.gather [hbm4b:s5+s25], $0x1, s1, s25, $0xb8;
	[tilespmem:$0xA000] =	vst v63  }
0x1c3: {  	s3 =	simm.s32 $0x5C80;
	s6 =	simm.s32 $0x9B00  }
0x1c4: {  	[tilespmem:s6], [sflag:$0x2] =	stream.indirect.gather [hbm4b:s5+s25], $0x1, s3, s25, $0xb8;
	[tilespmem:$0xA000] =	vst v63  }
0x1c5: {  	s7 =	simm.s32 $0x5D00;
	s8 =	simm.s32 $0x9C00  }
0x1c6: {  	[tilespmem:s8], [sflag:$0x2] =	stream.indirect.gather [hbm4b:s5+s25], $0x1, s7, s25, $0xb8;
	[tilespmem:$0xA000] =	vst v63  }
0x1c7: {  	s9 =	simm.s32 $0x5D80;
	s10 =	simm.s32 $0x9C80  }
0x1c8: {  	[tilespmem:s10], [sflag:$0x2] =	stream.indirect.gather [hbm4b:s5+s25], $0x1, s9, s25, $0xb8;
	[tilespmem:$0xA000] =	vst v63  }
0x1c9: {  	s11 =	simm.s32 $0x5E00;
	s12 =	simm.s32 $0x9D00  }
0x1ca: {  	[tilespmem:s12], [sflag:$0x2] =	stream.indirect.gather [hbm4b:s5+s25], $0x1, s11, s25, $0xb8;
	[tilespmem:$0xA000] =	vst v63  }
0x1cb: {  	s13 =	simm.s32 $0x5E80;
	s14 =	simm.s32 $0x9E00  }
0x1cc: {  	[tilespmem:s14], [sflag:$0x2] =	stream.indirect.gather [hbm4b:s5+s25], $0x1, s13, s25, $0xb8;
	[tilespmem:$0xA000] =	vst v63  }
0x1cd: {  	s15 =	simm.s32 $0x5F00;
	s16 =	simm.s32 $0x9E80  }
0x1ce: {  	[tilespmem:s16], [sflag:$0x2] =	stream.indirect.gather [hbm4b:s5+s25], $0x1, s15, s25, $0xb8;
	[tilespmem:$0xA000] =	vst v63  }
0x1cf: {  	s17 =	simm.s32 $0x5F80;
	s18 =	simm.s32 $0x9F00;
	s20 =	simm.s32 $0x1  }
0x1d0: {  	[tilespmem:s18], [sflag:$0x2] =	stream.indirect.gather [hbm4b:s5+s25], $0x1, s17, s25, $0xb8;
	[tilespmem:$0xA000] =	vst v63  }
0x1d1: {  	s19 =	sshll.u32 s30, $0xE;
	_ =	swait.ge [sflag:s20], $0x1800  }
.Ltmp6:
0x1d2: {  	s21 =	rddreg [dreg:$0xe];
	[sflag:s20] =	ssyncset.done $0x0;
	(pc) =	sbr.rel @p0 .LBB2_10-.Ltmp6, $4  }
0x1d3: {  	s0 =	sadd.s32 s21, s19;
	[sflag:s20] =	ssyncadd.s32 $0xFFFFE800  }
0x1d4: {  	s0 =	sshrl.u32 s0, $0x3;
	s22 =	rddreg [dreg:$0x4]  }
0x1d5: {  	s23 =	simm.s32 $0x0;
	s28 =	simm.s32 $0x6000;
	s0 =	sadd.s32 s22, s0  }
0x1d6: {  	[hbm4b:s0+s23] =	stream.linear.scatter [tilespmem:s28], [sflag:$0x5], $0x2000, $0x38;
	[tilespmem:$0xA000] =	vst v63  }
0x1d7: {  	s0 =	rddreg [dreg:$0xf]  }
0x1d8: {  	s0 =	sadd.s32 s31, s0  }
0x1d9: {  	s15 =	rddreg [dreg:$0x0];
	s3 =	simm.s32 $0x1800;
	s1 =	sshrl.u32 s0, $0x3  }
0x1da: {  	s16 =	rddreg [dreg:$0x1];
	s0 =	simm.s32 $0x0;
	s2 =	sadd.s32 s15, s1  }
0x1db: {  	[tilespmem:s3], [sflag:$0x4] =	stream.linear.gather [hbm4b:s2+s0], $0x800, $0x38;
	[tilespmem:$0xA000] =	vst v63  }
0x1dc: {  	s17 =	simm.s32 $0x2000;
	s18 =	rddreg [dreg:$0x2];
	s2 =	sadd.s32 s16, s1  }
0x1dd: {  	[tilespmem:s17], [sflag:$0x4] =	stream.linear.gather [hbm4b:s2+s0], $0x800, $0x38;
	[tilespmem:$0xA000] =	vst v63  }
0x1de: {  	s19 =	simm.s32 $0x2800;
	s1 =	sadd.s32 s18, s1  }
0x1df: {  	[tilespmem:s19], [sflag:$0x4] =	stream.linear.gather [hbm4b:s1+s0], $0x800, $0x38;
	[tilespmem:$0xA000] =	vst v63  }
0x1e0: {  	_ =	swait.ge [sflag:s24], $0x800  }
0x1e1: {  	[sflag:s24] =	ssyncset.done $0x0  }
0x1e2: {  	[sflag:s24] =	ssyncadd.s32 $0xFFFFF800  }
0x1e3: {  	_ =	swait.ge [sflag:s24], $0x800  }
0x1e4: {  	[sflag:s24] =	ssyncset.done $0x0  }
0x1e5: {  	[sflag:s24] =	ssyncadd.s32 $0xFFFFF800  }
0x1e6: {  	_ =	swait.ge [sflag:s24], $0x800  }
0x1e7: {  	[sflag:s24] =	ssyncset.done $0x0  }
0x1e8: {  	s20 =	simm.s32 $0x20;
	[sflag:s24] =	ssyncadd.s32 $0xFFFFF800  }
0x1e9: {  	s21 =	simm.s32 $0x1020;
	v0 =	vld [tilespmem:s20+$0xFFFFFFE0]  }
0x1ea: {  	s22 =	simm.s32 $0x820;
	v1 =	vld [tilespmem:s21+$0xFFFFFFE0]  }
0x1eb: {  	v2 =	vld [tilespmem:s22+$0xFFFFFFE0]  }
0x1ec: {  	v3 =	vld [tilespmem:s22+$0x10]  }
0x1ed: {  	v4 =	vld [tilespmem:s21+$0x10]  }
0x1ee: {  	v5 =	vld [tilespmem:s21+$0xFFFFFFF0]  }
0x1ef: {  	v6 =	vld [tilespmem:s21+$0x0]  }
0x1f0: {  	v7 =	vld [tilespmem:s22+$0xFFFFFFF0]  }
0x1f1: {  	v9 =	vld [tilespmem:s20+$0xFFFFFFF0]  }
0x1f2: {  	v10 =	vld [tilespmem:s22+$0x0];
	v0 =	vmul.f32 $1.000000000e+02, v0;
	v1 =	vmul.f32 $1.024000000e+03, v1  }
0x1f3: {  	v8 =	vld [tilespmem:s20+$0x10];
	v2 =	vmul.f32 $1.024000000e+03, v2;
	v3 =	vmul.f32 $1.024000000e+03, v3  }
0x1f4: {  	v4 =	vmul.f32 $1.024000000e+03, v4;
	v5 =	vmul.f32 $1.024000000e+03, v5  }
0x1f5: {  	v6 =	vmul.f32 $1.024000000e+03, v6;
	v7 =	vmul.f32 $1.024000000e+03, v7;
	v0 =	vadd.f32 $8.388608000e+06, v0  }
0x1f6: {  	v9 =	vmul.f32 $1.000000000e+02, v9;
	v2 =	vadd.f32 $8.388608000e+06, v2;
	v3 =	vadd.f32 $8.388608000e+06, v3  }
0x1f7: {  	v10 =	vmul.f32 $1.024000000e+03, v10;
	v4 =	vadd.f32 $8.388608000e+06, v4;
	v7 =	vadd.f32 $8.388608000e+06, v7  }
0x1f8: {  	v8 =	vmul.f32 $1.000000000e+02, v8;
	v1 =	vadd.f32 $8.388608000e+06, v1;
	v5 =	vadd.f32 $8.388608000e+06, v5  }
0x1f9: {  	v9 =	vadd.f32 $8.388608000e+06, v9;
	v10 =	vadd.f32 $8.388608000e+06, v10  }
0x1fa: {  	v8 =	vadd.f32 $8.388608000e+06, v8;
	v6 =	vadd.f32 $8.388608000e+06, v6  }
0x1fb: {  	v0 =	vadd.s32 $0xB5000000, v0;
	v2 =	vadd.s32 $0xB5000000, v2;
	v4 =	vadd.s32 $0xB5000000, v4  }
0x1fc: {  	v7 =	vadd.s32 $0xB5000000, v7;
	v3 =	vadd.s32 $0xB5000000, v3;
	v1 =	vadd.s32 $0xB5000000, v1  }
0x1fd: {  	v9 =	vadd.s32 $0xB5000000, v9;
	v10 =	vadd.s32 $0xB5000000, v10;
	v8 =	vadd.s32 $0xB5000000, v8  }
0x1fe: {  	v5 =	vadd.s32 $0xB5000000, v5;
	v6 =	vadd.s32 $0xB5000000, v6;
	vm0 =	vlt.s32 v0, $0x63  }
0x1ff: {  	vm8 =	vlt.s32 v2, $0x3FF;
	vm1 =	vlt.s32 v4, $0x3FF;
	vm9 =	vlt.s32 v1, $0x3FF  }
0x200: {  	vm2 =	vlt.s32 v10, $0x3FF;
	vm3 =	vlt.s32 v9, $0x63;
	v0 =	vnsel vm0, $0x63, v0  }
0x201: {  	vm10 =	vlt.s32 v3, $0x3FF;
	vm11 =	vlt.s32 v5, $0x3FF;
	v11 =	vmul.u32 $0xC00, v0;
	v0 =	vld [tilespmem:s20+$0x0]  }
0x202: {  	vm12 =	vlt.s32 v8, $0x63;
	vm13 =	vlt.s32 v6, $0x3FF;
	vm14 =	vlt.s32 v7, $0x3FF  }
0x203: {  	v4 =	vnsel vm1, $0x3FF, v4;
	v10 =	vnsel vm2, $0x3FF, v10;
	v9 =	vnsel vm3, $0x63, v9  }
0x204: {  	v2 =	vnsel vm8, $0x3FF, v2;
	v14 =	vnsel vm10, $0x3FF, v3;
	v15 =	vnsel vm9, $0x3FF, v1  }
0x205: {  	v1 =	vnsel vm11, $0x3FF, v5;
	v6 =	vnsel vm13, $0x3FF, v6;
	v13 =	vshll.u32 v10, $0x7  }
0x206: {  	v16 =	vshll.u32 v15, $0x3;
	v3 =	vand.u32 $0x7F, v4;
	v12 =	vmul.f32 $1.000000000e+02, v0  }
0x207: {  	v17 =	vshll.u32 v2, $0x7;
	v5 =	vand.u32 $0x7F, v15;
	v9 =	vmul.u32 $0xC00, v9  }
0x208: {  	v15 =	vshll.u32 v14, $0x7;
	v18 =	vshll.u32 v6, $0x3;
	v12 =	vadd.f32 $8.388608000e+06, v12  }
0x209: {  	v6 =	vand.u32 $0x7F, v6;
	v13 =	vand.u32 $0x380, v13;
	v2 =	vadd.s32 v2, v11  }
0x20a: {  	v11 =	vnsel vm14, $0x3FF, v7;
	v7 =	vnsel vm12, $0x63, v8;
	v12 =	vadd.s32 $0xB5000000, v12  }
0x20b: {  	v6 =	vor.u32 v13, v6;
	v8 =	vshll.u32 v11, $0x7;
	vm15 =	vlt.s32 v12, $0x63  }
0x20c: {  	v63 =	vmul.u32 $0xC00, v7;
	v2 =	vshll.u32 v2, $0xA;
	v12 =	vnsel vm15, $0x63, v12  }
0x20d: {  	v7 =	vand.u32 $0x380, v8;
	v8 =	vand.u32 $0x380, v15;
	v12 =	vmul.u32 $0xC00, v12  }
0x20e: {  	s23 =	simm.s32 $0x0;
	s10 =	simm.s32 $0x0;
	v15 =	vadd.s32 v11, v9;
	v11 =	vand.u32 $0x380, v17;
	v0 =	vshll.u32 v4, $0x3  }
0x20f: {  	s9 =	simm.s32 $0x30;
	s11 =	simm.s32 $0x10;
	s1 =	smul.u32 $0x600, s23;
	v4 =	vand.u32 $0xFFFFFC00, v16;
	v10 =	vadd.s32 v10, v12;
	v12 =	vand.u32 $0xFFFFFC00, v18  }
0x210: {  	s28 =	simm.s32 $0x20;
	s13 =	simm.s32 $0x1060;
	s14 =	simm.s32 $0x860;
	v9 =	vshll.u32 v10, $0xA;
	v10 =	vadd.s32 v14, v63;
	v13 =	vor.u32 v12, v6  }
0x211: {  	s18 =	simm.s32 $0x60;
	s12 =	sshra.s32 s1, $0x2;
	s1 =	sand.u32 $0x60, s28;
	v14 =	vand.u32 $0xFFFFE000, v9;
	v9 =	vand.u32 $0xFFFFE000, v2;
	v2 =	vshll.u32 v15, $0xA  }
0x212: {  	s17 =	sadd.s32 $0x3080, s12;
	s19 =	sadd.s32 $0x3100, s12;
	s21 =	simm.s32 $0x0;
	v12 =	vand.u32 $0x7F, v1;
	v6 =	vand.u32 $0xFFFFE000, v2;
	v2 =	vor.u32 v14, v13  }
.LBB2_8:
0x213: {  	s10 =	sadd.s32 $0x4, s10;
	v13 =	vld [tilespmem:s18+$0xFFFFFFE0];
	v5 =	vor.u32 v11, v5;
	v1 =	vshll.u32 v1, $0x3;
	v7 =	vor.u32 v7, v12;
	s6 =	sand.u32 $0x70, s9;
	s0 =	sadd.s32 $0x40, s0  }
0x214: {  	v10 =	vshll.u32 v10, $0xA;
	v0 =	vand.u32 $0xFFFFFC00, v0;
	v3 =	vor.u32 v8, v3;
	v11 =	vld [tilespmem:s13+$0xFFFFFFE0];
	s2 =	sshrl.u32 s10, $0x3;
	s9 =	sadd.s32 $0x30, s0;
	p0 =	slt.u32 s10, $0x7C  }
0x215: {  	s8 =	sadd.s32 $0x3000, s12;
	v4 =	vor.u32 v4, v5;
	v5 =	vand.u32 $0xFFFFE000, v10;
	v0 =	vor.u32 v0, v3;
	v8 =	vld [tilespmem:s14+$0xFFFFFFE0];
	s7 =	smul.u32 $0x600, s2;
	s2 =	sand.u32 $0x40, s21  }
0x216: {  	v4 =	vor.u32 v9, v4;
	v0 =	vor.u32 v5, v0;
	v3 =	vld [tilespmem:s14+$0x10];
	s15 =	sor.u32 s2, s8;
	s3 =	sor.u32 s2, s17;
	s2 =	sor.u32 s2, s19  }
0x217: {  	v9 =	vadd.s32 $0x100000, v4;
	v10 =	vadd.s32 $0x100000, v0;
	v12 =	vadd.s32 $0x200000, v0;
	s12 =	sshra.s32 s7, $0x2;
	s7 =	sadd.s32 $0x10, s0;
	v5 =	vld [tilespmem:s13+$0x10];
	[tilespmem:s15+$0x0] =	vst v4;
	s15 =	sor.u32 s6, s8  }
0x218: {  	v1 =	vand.u32 $0xFFFFFC00, v1;
	v4 =	vadd.s32 $0x200000, v4;
	v13 =	vmul.f32 $1.000000000e+02, v13;
	s16 =	sadd.s32 $0x3080, s12;
	s20 =	sadd.s32 $0x3100, s12;
	v14 =	vld [tilespmem:s13+$0xFFFFFFF0];
	[tilespmem:s15+$0x0] =	vst v0;
	s15 =	sor.u32 s6, s17  }
0x219: {  	s11 =	sand.u32 $0x50, s11;
	s22 =	sadd.s32 $0x20, s0;
	v1 =	vor.u32 v1, v7;
	v7 =	vadd.s32 $0x100000, v2;
	s6 =	sor.u32 s6, s19;
	v0 =	vmul.f32 $1.024000000e+03, v11;
	v11 =	vld [tilespmem:s13+$0x0];
	[tilespmem:s15+$0x0] =	vst v10  }
0x21a: {  	s23 =	sor.u32 s11, s17;
	s28 =	sor.u32 s11, s19;
	v1 =	vor.u32 v6, v1;
	s15 =	sor.u32 s11, s8;
	v10 =	vadd.f32 $8.388608000e+06, v13;
	v8 =	vmul.f32 $1.024000000e+03, v8;
	v13 =	vld [tilespmem:s14+$0xFFFFFFF0];
	[tilespmem:s6+$0x0] =	vst v12  }
0x21b: {  	v15 =	vadd.s32 $0x200000, v2;
	s21 =	smov.u32 s0;
	s11 =	smov.u32 s7;
	v12 =	vadd.s32 $0x200000, v1;
	s6 =	sor.u32 s1, s8;
	v6 =	vld [tilespmem:s18+$0x10];
	v3 =	vmul.f32 $1.024000000e+03, v3;
	[tilespmem:s15+$0x0] =	vst v1  }
0x21c: {  	v1 =	vadd.s32 $0x100000, v1;
	v10 =	vadd.s32 $0xB5000000, v10;
	v16 =	vld [tilespmem:s18+$0xFFFFFFF0];
	v5 =	vmul.f32 $1.024000000e+03, v5;
	[tilespmem:s6+$0x0] =	vst v2;
	s6 =	sor.u32 s1, s17;
	s17 =	smov.u32 s16  }
0x21d: {  	v2 =	vadd.f32 $8.388608000e+06, v8;
	s1 =	sor.u32 s1, s19;
	s19 =	smov.u32 s20;
	vm0 =	vlt.s32 v10, $0x63;
	v8 =	vmul.f32 $1.024000000e+03, v14;
	v14 =	vld [tilespmem:s14+$0x0];
	[tilespmem:s6+$0x0] =	vst v7  }
0x21e: {  	v3 =	vadd.f32 $8.388608000e+06, v3;
	v7 =	vmul.f32 $1.024000000e+03, v11;
	v5 =	vadd.f32 $8.388608000e+06, v5;
	[tilespmem:s1+$0x0] =	vst v15  }
0x21f: {  	v10 =	vnsel vm0, $0x63, v10;
	v2 =	vadd.s32 $0xB5000000, v2;
	v11 =	vmul.f32 $1.024000000e+03, v13;
	[tilespmem:s23+$0x0] =	vst v1  }
0x220: {  	vm0 =	vlt.s32 v2, $0x3FF;
	v10 =	vmul.u32 $0xC00, v10;
	v1 =	vld [tilespmem:s18+$0x0];
	v6 =	vmul.f32 $1.000000000e+02, v6;
	[tilespmem:s28+$0x0] =	vst v12  }
0x221: {  	v5 =	vadd.s32 $0xB5000000, v5;
	v12 =	vmul.f32 $1.000000000e+02, v16;
	v11 =	vadd.f32 $8.388608000e+06, v11;
	[tilespmem:s3+$0x0] =	vst v9  }
0x222: {  	v0 =	vadd.f32 $8.388608000e+06, v0;
	v8 =	vadd.f32 $8.388608000e+06, v8;
	v9 =	vmul.f32 $1.024000000e+03, v14;
	[tilespmem:s2+$0x0] =	vst v4  }
0x223: {  	v3 =	vadd.s32 $0xB5000000, v3;
	v4 =	vadd.f32 $8.388608000e+06, v12;
	v11 =	vadd.s32 $0xB5000000, v11  }
0x224: {  	vm1 =	vlt.s32 v5, $0x3FF;
	v12 =	vadd.s32 $0xB5000000, v0;
	v0 =	vadd.f32 $8.388608000e+06, v9  }
0x225: {  	v5 =	vnsel vm1, $0x3FF, v5;
	v4 =	vadd.s32 $0xB5000000, v4;
	v1 =	vmul.f32 $1.000000000e+02, v1  }
0x226: {  	vm1 =	vlt.s32 v12, $0x3FF;
	v9 =	vadd.s32 $0xB5000000, v0;
	v0 =	vshll.u32 v5, $0x3  }
0x227: {  	v13 =	vadd.f32 $8.388608000e+06, v1;
	vm2 =	vlt.s32 v9, $0x3FF;
	v1 =	vadd.f32 $8.388608000e+06, v6  }
0x228: {  	vm3 =	vlt.s32 v4, $0x63;
	v6 =	vnsel vm2, $0x3FF, v9;
	vm2 =	vlt.s32 v3, $0x3FF  }
0x229: {  	v9 =	vnsel vm3, $0x63, v4;
	v4 =	vshll.u32 v6, $0x7;
	v14 =	vadd.s32 $0xB5000000, v1  }
0x22a: {  	v2 =	vnsel vm0, $0x3FF, v2;
	v1 =	vadd.s32 $0xB5000000, v8;
	v15 =	vand.u32 $0x380, v4  }
0x22b: {  	v16 =	vnsel vm2, $0x3FF, v3;
	vm0 =	vlt.s32 v1, $0x3FF;
	v4 =	vadd.f32 $8.388608000e+06, v7  }
0x22c: {  	v7 =	vnsel vm1, $0x3FF, v12;
	v1 =	vnsel vm0, $0x3FF, v1;
	vm0 =	vlt.s32 v14, $0x63  }
0x22d: {  	v3 =	vand.u32 $0x7F, v5;
	v12 =	vadd.s32 $0xB5000000, v13;
	v8 =	vshll.u32 v7, $0x3  }
0x22e: {  	v13 =	vshll.u32 v2, $0x7;
	v5 =	vand.u32 $0x7F, v7;
	v17 =	vadd.s32 $0xB5000000, v4  }
0x22f: {  	v9 =	vmul.u32 $0xC00, v9;
	v4 =	vand.u32 $0xFFFFFC00, v8;
	vm1 =	vlt.s32 v17, $0x3FF  }
0x230: {  	vm2 =	vlt.s32 v11, $0x3FF;
	vm3 =	vlt.s32 v12, $0x63;
	v8 =	vshll.u32 v16, $0x7  }
0x231: {  	v2 =	vadd.s32 v2, v10;
	v10 =	vnsel vm2, $0x3FF, v11;
	v7 =	vnsel vm0, $0x63, v14  }
0x232: {  	v11 =	vshll.u32 v10, $0x7;
	v12 =	vnsel vm3, $0x63, v12;
	v14 =	vmul.u32 $0xC00, v7  }
0x233: {  	v7 =	vand.u32 $0x380, v11;
	v12 =	vmul.u32 $0xC00, v12;
	v11 =	vnsel vm1, $0x3FF, v17  }
0x234: {  	v2 =	vshll.u32 v2, $0xA;
	v8 =	vand.u32 $0x380, v8;
	v17 =	vshll.u32 v11, $0x3  }
.Ltmp7:
0x235: {  	v6 =	vadd.s32 v6, v12;
	v12 =	vand.u32 $0xFFFFFC00, v17;
	v17 =	vand.u32 $0x7F, v11;
	(pc) =	sbr.rel @p0 .LBB2_8-.Ltmp7, $4  }
0x236: {  	v18 =	vadd.s32 v10, v9;
	v10 =	vadd.s32 v16, v14;
	v6 =	vshll.u32 v6, $0xA  }
0x237: {  	v11 =	vand.u32 $0x380, v13;
	v13 =	vand.u32 $0xFFFFE000, v6;
	v6 =	vor.u32 v15, v17  }
0x238: {  	s1 =	sand.u32 $0x60, s22;
	v9 =	vand.u32 $0xFFFFE000, v2;
	v2 =	vshll.u32 v18, $0xA;
	v14 =	vor.u32 v12, v6  }
0x239: {  	s13 =	sadd.s32 $0x40, s13;
	s14 =	sadd.s32 $0x40, s14;
	s18 =	sadd.s32 $0x40, s18;
	v6 =	vand.u32 $0xFFFFE000, v2;
	v12 =	vand.u32 $0x7F, v1;
	v2 =	vor.u32 v13, v14  }
0x23a: {  	s0 =	sand.u32 $0x40, s21;
	s2 =	sadd.s32 $0x3000, s12  }
0x23b: {  	v5 =	vor.u32 v11, v5;
	v10 =	vshll.u32 v10, $0xA;
	s3 =	sand.u32 $0x70, s9;
	s10 =	sand.u32 $0x50, s11;
	s6 =	sor.u32 s0, s2  }
0x23c: {  	v0 =	vand.u32 $0xFFFFFC00, v0;
	v3 =	vor.u32 v8, v3;
	v4 =	vor.u32 v4, v5;
	s8 =	sor.u32 s3, s2;
	s11 =	sor.u32 s10, s2;
	s2 =	sor.u32 s1, s2  }
0x23d: {  	v55 =	vand.u32 $0xFFFFE000, v10;
	v0 =	vor.u32 v0, v3;
	v56 =	vor.u32 v9, v4;
	[tilespmem:s2+$0x0] =	vst v2  }
0x23e: {  	v1 =	vshll.u32 v1, $0x3;
	v0 =	vor.u32 v55, v0;
	[tilespmem:s6+$0x0] =	vst v56  }
0x23f: {  	v57 =	vor.u32 v7, v12;
	v58 =	vadd.s32 $0x100000, v2;
	s12 =	sor.u32 s1, s17;
	v1 =	vand.u32 $0xFFFFFC00, v1;
	[tilespmem:s8+$0x0] =	vst v0  }
0x240: {  	s9 =	sor.u32 s3, s17;
	v1 =	vor.u32 v1, v57;
	v5 =	vadd.s32 $0x100000, v0;
	[tilespmem:s12+$0x0] =	vst v58  }
0x241: {  	v1 =	vor.u32 v6, v1;
	[tilespmem:s9+$0x0] =	vst v5  }
0x242: {  	v59 =	vadd.s32 $0x200000, v2;
	s13 =	sor.u32 s1, s19;
	[tilespmem:s11+$0x0] =	vst v1  }
0x243: {  	s16 =	sor.u32 s0, s17;
	v62 =	vadd.s32 $0x100000, v56;
	[tilespmem:s13+$0x0] =	vst v59  }
0x244: {  	s3 =	sor.u32 s3, s19;
	v0 =	vadd.s32 $0x200000, v0;
	[tilespmem:s16+$0x0] =	vst v62  }
0x245: {  	s14 =	sor.u32 s10, s17;
	v60 =	vadd.s32 $0x100000, v1;
	[tilespmem:s3+$0x0] =	vst v0  }
0x246: {  	s0 =	sor.u32 s0, s19;
	v63 =	vadd.s32 $0x200000, v56;
	[tilespmem:s14+$0x0] =	vst v60  }
0x247: {  	s15 =	sor.u32 s10, s19;
	v61 =	vadd.s32 $0x200000, v1;
	[tilespmem:s0+$0x0] =	vst v63  }
0x248: {  	[tilespmem:s15+$0x0] =	vst v61  }
0x249: {  	_ =	swait.ge [sflag:s26], $0x2000  }
0x24a: {  	[sflag:s26] =	ssyncset.done $0x0  }
0x24b: {  	s18 =	simm.s32 $0x6000;
	s17 =	simm.s32 $0x3000;
	[sflag:s26] =	ssyncadd.s32 $0xFFFFE000  }
0x24c: {  	[tilespmem:s18], [sflag:$0x1] =	stream.indirect.gather [hbm4b:s5+s25], $0x1, s17, s25, $0xb8;
	[tilespmem:$0xA000] =	vst v63  }
0x24d: {  	s20 =	simm.s32 $0x6080;
	s19 =	simm.s32 $0x3080  }
0x24e: {  	[tilespmem:s20], [sflag:$0x1] =	stream.indirect.gather [hbm4b:s5+s25], $0x1, s19, s25, $0xb8;
	[tilespmem:$0xA000] =	vst v63  }
0x24f: {  	s21 =	simm.s32 $0x3100;
	s22 =	simm.s32 $0x6100  }
0x250: {  	[tilespmem:s22], [sflag:$0x1] =	stream.indirect.gather [hbm4b:s5+s25], $0x1, s21, s25, $0xb8;
	[tilespmem:$0xA000] =	vst v63  }
0x251: {  	s23 =	simm.s32 $0x3180;
	s28 =	simm.s32 $0x6200  }
0x252: {  	[tilespmem:s28], [sflag:$0x1] =	stream.indirect.gather [hbm4b:s5+s25], $0x1, s23, s25, $0xb8;
	[tilespmem:$0xA000] =	vst v63  }
0x253: {  	s1 =	simm.s32 $0x3200;
	s2 =	simm.s32 $0x6280  }
0x254: {  	[tilespmem:s2], [sflag:$0x1] =	stream.indirect.gather [hbm4b:s5+s25], $0x1, s1, s25, $0xb8;
	[tilespmem:$0xA000] =	vst v63  }
0x255: {  	s6 =	simm.s32 $0x6300;
	s3 =	simm.s32 $0x3280  }
0x256: {  	[tilespmem:s6], [sflag:$0x1] =	stream.indirect.gather [hbm4b:s5+s25], $0x1, s3, s25, $0xb8;
	[tilespmem:$0xA000] =	vst v63  }
0x257: {  	s7 =	simm.s32 $0x3300;
	s8 =	simm.s32 $0x6400  }
0x258: {  	[tilespmem:s8], [sflag:$0x1] =	stream.indirect.gather [hbm4b:s5+s25], $0x1, s7, s25, $0xb8;
	[tilespmem:$0xA000] =	vst v63  }
0x259: {  	s10 =	simm.s32 $0x6480;
	s9 =	simm.s32 $0x3380  }
0x25a: {  	[tilespmem:s10], [sflag:$0x1] =	stream.indirect.gather [hbm4b:s5+s25], $0x1, s9, s25, $0xb8;
	[tilespmem:$0xA000] =	vst v63  }
0x25b: {  	s12 =	simm.s32 $0x6500;
	s11 =	simm.s32 $0x3400  }
0x25c: {  	[tilespmem:s12], [sflag:$0x1] =	stream.indirect.gather [hbm4b:s5+s25], $0x1, s11, s25, $0xb8;
	[tilespmem:$0xA000] =	vst v63  }
0x25d: {  	s13 =	simm.s32 $0x3480;
	s14 =	simm.s32 $0x6600  }
0x25e: {  	[tilespmem:s14], [sflag:$0x1] =	stream.indirect.gather [hbm4b:s5+s25], $0x1, s13, s25, $0xb8;
	[tilespmem:$0xA000] =	vst v63  }
0x25f: {  	s16 =	simm.s32 $0x6680;
	s15 =	simm.s32 $0x3500  }
0x260: {  	[tilespmem:s16], [sflag:$0x1] =	stream.indirect.gather [hbm4b:s5+s25], $0x1, s15, s25, $0xb8;
	[tilespmem:$0xA000] =	vst v63  }
0x261: {  	s17 =	simm.s32 $0x3580;
	s18 =	simm.s32 $0x6700  }
0x262: {  	[tilespmem:s18], [sflag:$0x1] =	stream.indirect.gather [hbm4b:s5+s25], $0x1, s17, s25, $0xb8;
	[tilespmem:$0xA000] =	vst v63  }
0x263: {  	s19 =	simm.s32 $0x3600;
	s20 =	simm.s32 $0x6800  }
0x264: {  	[tilespmem:s20], [sflag:$0x1] =	stream.indirect.gather [hbm4b:s5+s25], $0x1, s19, s25, $0xb8;
	[tilespmem:$0xA000] =	vst v63  }
0x265: {  	s21 =	simm.s32 $0x3680;
	s22 =	simm.s32 $0x6880  }
0x266: {  	[tilespmem:s22], [sflag:$0x1] =	stream.indirect.gather [hbm4b:s5+s25], $0x1, s21, s25, $0xb8;
	[tilespmem:$0xA000] =	vst v63  }
0x267: {  	s23 =	simm.s32 $0x3700;
	s28 =	simm.s32 $0x6900  }
0x268: {  	[tilespmem:s28], [sflag:$0x1] =	stream.indirect.gather [hbm4b:s5+s25], $0x1, s23, s25, $0xb8;
	[tilespmem:$0xA000] =	vst v63  }
0x269: {  	s1 =	simm.s32 $0x3780;
	s2 =	simm.s32 $0x6A00  }
0x26a: {  	[tilespmem:s2], [sflag:$0x1] =	stream.indirect.gather [hbm4b:s5+s25], $0x1, s1, s25, $0xb8;
	[tilespmem:$0xA000] =	vst v63  }
0x26b: {  	s3 =	simm.s32 $0x3800;
	s6 =	simm.s32 $0x6A80  }
0x26c: {  	[tilespmem:s6], [sflag:$0x1] =	stream.indirect.gather [hbm4b:s5+s25], $0x1, s3, s25, $0xb8;
	[tilespmem:$0xA000] =	vst v63  }
0x26d: {  	s7 =	simm.s32 $0x3880;
	s8 =	simm.s32 $0x6B00  }
0x26e: {  	[tilespmem:s8], [sflag:$0x1] =	stream.indirect.gather [hbm4b:s5+s25], $0x1, s7, s25, $0xb8;
	[tilespmem:$0xA000] =	vst v63  }
0x26f: {  	s9 =	simm.s32 $0x3900;
	s10 =	simm.s32 $0x6C00  }
0x270: {  	[tilespmem:s10], [sflag:$0x1] =	stream.indirect.gather [hbm4b:s5+s25], $0x1, s9, s25, $0xb8;
	[tilespmem:$0xA000] =	vst v63  }
0x271: {  	s11 =	simm.s32 $0x3980;
	s12 =	simm.s32 $0x6C80  }
0x272: {  	[tilespmem:s12], [sflag:$0x1] =	stream.indirect.gather [hbm4b:s5+s25], $0x1, s11, s25, $0xb8;
	[tilespmem:$0xA000] =	vst v63  }
0x273: {  	s13 =	simm.s32 $0x3A00;
	s14 =	simm.s32 $0x6D00  }
0x274: {  	[tilespmem:s14], [sflag:$0x1] =	stream.indirect.gather [hbm4b:s5+s25], $0x1, s13, s25, $0xb8;
	[tilespmem:$0xA000] =	vst v63  }
0x275: {  	s15 =	simm.s32 $0x3A80;
	s16 =	simm.s32 $0x6E00  }
0x276: {  	[tilespmem:s16], [sflag:$0x1] =	stream.indirect.gather [hbm4b:s5+s25], $0x1, s15, s25, $0xb8;
	[tilespmem:$0xA000] =	vst v63  }
0x277: {  	s17 =	simm.s32 $0x3B00;
	s18 =	simm.s32 $0x6E80  }
0x278: {  	[tilespmem:s18], [sflag:$0x1] =	stream.indirect.gather [hbm4b:s5+s25], $0x1, s17, s25, $0xb8;
	[tilespmem:$0xA000] =	vst v63  }
0x279: {  	s19 =	simm.s32 $0x3B80;
	s20 =	simm.s32 $0x6F00  }
0x27a: {  	[tilespmem:s20], [sflag:$0x1] =	stream.indirect.gather [hbm4b:s5+s25], $0x1, s19, s25, $0xb8;
	[tilespmem:$0xA000] =	vst v63  }
0x27b: {  	s21 =	simm.s32 $0x3C00;
	s22 =	simm.s32 $0x7000  }
0x27c: {  	[tilespmem:s22], [sflag:$0x1] =	stream.indirect.gather [hbm4b:s5+s25], $0x1, s21, s25, $0xb8;
	[tilespmem:$0xA000] =	vst v63  }
0x27d: {  	s23 =	simm.s32 $0x3C80;
	s28 =	simm.s32 $0x7080  }
0x27e: {  	[tilespmem:s28], [sflag:$0x1] =	stream.indirect.gather [hbm4b:s5+s25], $0x1, s23, s25, $0xb8;
	[tilespmem:$0xA000] =	vst v63  }
0x27f: {  	s1 =	simm.s32 $0x3D00;
	s2 =	simm.s32 $0x7100  }
0x280: {  	[tilespmem:s2], [sflag:$0x1] =	stream.indirect.gather [hbm4b:s5+s25], $0x1, s1, s25, $0xb8;
	[tilespmem:$0xA000] =	vst v63  }
0x281: {  	s3 =	simm.s32 $0x3D80;
	s6 =	simm.s32 $0x7200  }
0x282: {  	[tilespmem:s6], [sflag:$0x1] =	stream.indirect.gather [hbm4b:s5+s25], $0x1, s3, s25, $0xb8;
	[tilespmem:$0xA000] =	vst v63  }
0x283: {  	s7 =	simm.s32 $0x3E00;
	s8 =	simm.s32 $0x7280  }
0x284: {  	[tilespmem:s8], [sflag:$0x1] =	stream.indirect.gather [hbm4b:s5+s25], $0x1, s7, s25, $0xb8;
	[tilespmem:$0xA000] =	vst v63  }
0x285: {  	s9 =	simm.s32 $0x3E80;
	s10 =	simm.s32 $0x7300  }
0x286: {  	[tilespmem:s10], [sflag:$0x1] =	stream.indirect.gather [hbm4b:s5+s25], $0x1, s9, s25, $0xb8;
	[tilespmem:$0xA000] =	vst v63  }
0x287: {  	s11 =	simm.s32 $0x3F00;
	s12 =	simm.s32 $0x7400  }
0x288: {  	[tilespmem:s12], [sflag:$0x1] =	stream.indirect.gather [hbm4b:s5+s25], $0x1, s11, s25, $0xb8;
	[tilespmem:$0xA000] =	vst v63  }
0x289: {  	s13 =	simm.s32 $0x3F80;
	s14 =	simm.s32 $0x7480  }
0x28a: {  	[tilespmem:s14], [sflag:$0x1] =	stream.indirect.gather [hbm4b:s5+s25], $0x1, s13, s25, $0xb8;
	[tilespmem:$0xA000] =	vst v63  }
0x28b: {  	s15 =	simm.s32 $0x4000;
	s16 =	simm.s32 $0x7500  }
0x28c: {  	[tilespmem:s16], [sflag:$0x1] =	stream.indirect.gather [hbm4b:s5+s25], $0x1, s15, s25, $0xb8;
	[tilespmem:$0xA000] =	vst v63  }
0x28d: {  	s17 =	simm.s32 $0x4080;
	s18 =	simm.s32 $0x7600  }
0x28e: {  	[tilespmem:s18], [sflag:$0x1] =	stream.indirect.gather [hbm4b:s5+s25], $0x1, s17, s25, $0xb8;
	[tilespmem:$0xA000] =	vst v63  }
0x28f: {  	s19 =	simm.s32 $0x4100;
	s20 =	simm.s32 $0x7680  }
0x290: {  	[tilespmem:s20], [sflag:$0x1] =	stream.indirect.gather [hbm4b:s5+s25], $0x1, s19, s25, $0xb8;
	[tilespmem:$0xA000] =	vst v63  }
0x291: {  	s21 =	simm.s32 $0x4180;
	s22 =	simm.s32 $0x7700  }
0x292: {  	[tilespmem:s22], [sflag:$0x1] =	stream.indirect.gather [hbm4b:s5+s25], $0x1, s21, s25, $0xb8;
	[tilespmem:$0xA000] =	vst v63  }
0x293: {  	s23 =	simm.s32 $0x4200;
	s28 =	simm.s32 $0x7800  }
0x294: {  	[tilespmem:s28], [sflag:$0x1] =	stream.indirect.gather [hbm4b:s5+s25], $0x1, s23, s25, $0xb8;
	[tilespmem:$0xA000] =	vst v63  }
0x295: {  	s1 =	simm.s32 $0x4280;
	s2 =	simm.s32 $0x7880  }
0x296: {  	[tilespmem:s2], [sflag:$0x1] =	stream.indirect.gather [hbm4b:s5+s25], $0x1, s1, s25, $0xb8;
	[tilespmem:$0xA000] =	vst v63  }
0x297: {  	s3 =	simm.s32 $0x4300;
	s6 =	simm.s32 $0x7900  }
0x298: {  	[tilespmem:s6], [sflag:$0x1] =	stream.indirect.gather [hbm4b:s5+s25], $0x1, s3, s25, $0xb8;
	[tilespmem:$0xA000] =	vst v63  }
0x299: {  	s7 =	simm.s32 $0x4380;
	s8 =	simm.s32 $0x7A00  }
0x29a: {  	[tilespmem:s8], [sflag:$0x1] =	stream.indirect.gather [hbm4b:s5+s25], $0x1, s7, s25, $0xb8;
	[tilespmem:$0xA000] =	vst v63  }
0x29b: {  	s9 =	simm.s32 $0x4400;
	s10 =	simm.s32 $0x7A80  }
0x29c: {  	[tilespmem:s10], [sflag:$0x1] =	stream.indirect.gather [hbm4b:s5+s25], $0x1, s9, s25, $0xb8;
	[tilespmem:$0xA000] =	vst v63  }
0x29d: {  	s11 =	simm.s32 $0x4480;
	s12 =	simm.s32 $0x7B00  }
0x29e: {  	[tilespmem:s12], [sflag:$0x1] =	stream.indirect.gather [hbm4b:s5+s25], $0x1, s11, s25, $0xb8;
	[tilespmem:$0xA000] =	vst v63  }
0x29f: {  	s13 =	simm.s32 $0x4500;
	s14 =	simm.s32 $0x7C00  }
0x2a0: {  	[tilespmem:s14], [sflag:$0x1] =	stream.indirect.gather [hbm4b:s5+s25], $0x1, s13, s25, $0xb8;
	[tilespmem:$0xA000] =	vst v63  }
0x2a1: {  	s15 =	simm.s32 $0x4580;
	s16 =	simm.s32 $0x7C80  }
0x2a2: {  	[tilespmem:s16], [sflag:$0x1] =	stream.indirect.gather [hbm4b:s5+s25], $0x1, s15, s25, $0xb8;
	[tilespmem:$0xA000] =	vst v63  }
0x2a3: {  	s17 =	simm.s32 $0x4600;
	s18 =	simm.s32 $0x7D00  }
0x2a4: {  	[tilespmem:s18], [sflag:$0x1] =	stream.indirect.gather [hbm4b:s5+s25], $0x1, s17, s25, $0xb8;
	[tilespmem:$0xA000] =	vst v63  }
0x2a5: {  	s19 =	simm.s32 $0x4680;
	s20 =	simm.s32 $0x7E00  }
0x2a6: {  	[tilespmem:s20], [sflag:$0x1] =	stream.indirect.gather [hbm4b:s5+s25], $0x1, s19, s25, $0xb8;
	[tilespmem:$0xA000] =	vst v63  }
.Ltmp8:
0x2a7: {  	_ = 	snop;
	(pc) =	sbr.rel .LBB2_11-.Ltmp8, $4  }
0x2a8: {  	s21 =	simm.s32 $0x4700;
	s22 =	simm.s32 $0x7E80  }
0x2a9: {  	[tilespmem:s22], [sflag:$0x1] =	stream.indirect.gather [hbm4b:s5+s25], $0x1, s21, s25, $0xb8;
	[tilespmem:$0xA000] =	vst v63  }
0x2aa: {  	s23 =	simm.s32 $0x4780;
	s28 =	simm.s32 $0x7F00  }
0x2ab: {  	[tilespmem:s28], [sflag:$0x1] =	stream.indirect.gather [hbm4b:s5+s25], $0x1, s23, s25, $0xb8;
	[tilespmem:$0xA000] =	vst v63  }
.LBB2_13:
0x2ac: {  	_ =	sfence.sel $0x180000  }
0x2ad: {  	[bflag:$0x0] =	sbarrier.arrive $0xFFFF  }
0x2ae: {  	_ =	strace $0x90000047  }
0x2af: {  	s0 =	stileid.u32;
	[bflag:$0x2] =	sbarrier.arrive $0xFFFF  }
0x2b0: {  	p0 =	sne.s32 s0, $0x0;
	s0 =	rddreg [dreg:$0x5]  }
0x2b1: {  	s0 =	sadd.s32 @!p0 $0x100000, s0  }
0x2b2: {  	[sflag:s0] =	ssyncadd.tile.s32 @!p0 $0x1;
	_ =	shalt  }
.Lfunc_end2:
_tile_overlayer_lowered:
.L_overlay_start_2:
0x2b3: {  	(tag) =	ssettag $0x2  }
0x2b4: {  	s0 =	rddreg [dreg:$0x0];
	s2 =	stileid.u32  }
0x2b5: {  	s1 =	rddreg [dreg:$0x1];
	p0 =	sne.s32 s2, $0x0  }
0x2b6: {  	s3 =	rddreg [dreg:$0x2];
	[bflag:$0x3] =	sbarrier.arrive $0xFFFF;
	s2 =	simm.s32 @!p0 $0x1C06  }
0x2b7: {  	[timem:s3], [sflag:s2] =	dma.local @!p0 [hbm:s0], s1  }
0x2b8: {  	s0 =	simm.s32 @!p0 $0x6  }
0x2b9: {  	_ =	swait.ge @!p0 [sflag:s0], s1  }
0x2ba: {  	s1 =	ssub.s32 @!p0 $0x0, s1;
	[sflag:s0] =	ssyncset.done @!p0 $0x0  }
0x2bb: {  	[sflag:s0] =	ssyncadd.s32 @!p0 s1  }
0x2bc: {  	[bflag:$0x3] =	sbarrier.arrive $0xFFFF  }
0x2bd: {  	_ =	shalt  }

</sc_bundles>
